<compile_context>
chip_gen: v7x
topology: tpu7x:2x2x1
jax: 0.10.2.dev20260603
libtpu: 0.0.44.dev20260713+nightly
codegen_flags: <defaults>
</compile_context>

<pallas_src>
import functools

import jax
import jax.numpy as jnp
from jax import lax
from jax.experimental import pallas as pl
from jax.experimental.pallas import tpu as pltpu
from jax.experimental.pallas import tpu_sc as plsc

_B, _L, _V, _C = 4096, 200, 1000, 9
_VP = 1024
_CP = 16
_NW = 32
_ROWS_PER_W = _B // _NW
_IDS_PER_W = _ROWS_PER_W * _L


def _sc_accumulate(ids_flat, table):
    mesh = plsc.VectorSubcoreMesh(core_axis_name="c", subcore_axis_name="s")

    @functools.partial(
        pl.kernel,
        mesh=mesh,
        compiler_params=pltpu.CompilerParams(
            needs_layout_passes=False, use_tc_tiling_on_sc=True),
        out_type=jax.ShapeDtypeStruct((_B * 128,), jnp.float32),
        scratch_types=[
            pltpu.VMEM((_ROWS_PER_W, _L), jnp.int32),
            pltpu.VMEM((_VP * _CP,), jnp.float32),
            pltpu.VMEM((_ROWS_PER_W * 128,), jnp.float32),
        ],
    )
    def sc_kernel(ids_hbm, tab_hbm, out_hbm, ids_v, tab_v, out_v):
        num_c = lax.axis_size("c")
        wid = lax.axis_index("s") * num_c + lax.axis_index("c")
        pltpu.sync_copy(ids_hbm.at[pl.ds(wid * _ROWS_PER_W, _ROWS_PER_W)], ids_v)
        pltpu.sync_copy(tab_hbm, tab_v)

        zeros4 = tuple(jnp.zeros((_CP,), jnp.float32) for _ in range(4))

        def pair_body(p, _):
            r0 = p * 2

            def j_body(jj, carry):
                a, b2 = carry
                va = ids_v[r0, pl.ds(jj * 16, 16)]
                vb = ids_v[r0 + 1, pl.ds(jj * 16, 16)]
                for u in range(16):
                    a = (a[1:]) + (a[0] + tab_v[pl.ds(va[u] * _CP, _CP)],)
                    b2 = (b2[1:]) + (b2[0] + tab_v[pl.ds(vb[u] * _CP, _CP)],)
                return a, b2

            a, b2 = lax.fori_loop(0, _L // 16, j_body, (zeros4, zeros4))
            va = ids_v[r0, pl.ds(_L - 16, 16)]
            vb = ids_v[r0 + 1, pl.ds(_L - 16, 16)]
            for u in range(8, 16):
                a = (a[1:]) + (a[0] + tab_v[pl.ds(va[u] * _CP, _CP)],)
                b2 = (b2[1:]) + (b2[0] + tab_v[pl.ds(vb[u] * _CP, _CP)],)
            out_v[pl.ds(r0 * 128, _CP)] = (a[0] + a[1]) + (a[2] + a[3])
            out_v[pl.ds(r0 * 128 + 128, _CP)] = (b2[0] + b2[1]) + (b2[2] + b2[3])
            return 0

        lax.fori_loop(0, _ROWS_PER_W // 2, pair_body, 0)
        pltpu.sync_copy(
            out_v, out_hbm.at[pl.ds(wid * _ROWS_PER_W * 128, _ROWS_PER_W * 128)])

    return sc_kernel(ids_flat, table)


def _tc_log_softmax(s, b_row):

    def body(s_ref, b_ref, o_ref):
        logits = s_ref[:, :_CP] + b_ref[...]
        cls = lax.broadcasted_iota(jnp.int32, (_B, _CP), 1)
        valid = cls < _C
        m = jnp.max(jnp.where(valid, logits, -1e30), axis=1, keepdims=True)
        e = jnp.where(valid, jnp.exp(logits - m), 0.0)
        lse = jnp.log(jnp.sum(e, axis=1, keepdims=True))
        o_ref[...] = (logits - m - lse)[:, :_C]

    return pl.pallas_call(
        body,
        out_shape=jax.ShapeDtypeStruct((_B, _C), jnp.float32),
    )(s, b_row)


def kernel(ids, W, b):
    table = jnp.zeros((_VP, _CP), jnp.float32).at[:_V, :_C].set(W.T).reshape(-1)
    b_row = jnp.pad(b, (0, _CP - _C))[None, :]
    s = _sc_accumulate(ids, table).reshape(_B, 128)
    return _tc_log_softmax(s, b_row)

# --- scband reference (transcript-rebuilt; emitter-appended) ---
"""Pipeline reference for scband-student-bo-wclf-3547642986555 (READ-ONLY COPY).

The authoritative reference and input builder live on the scoring server;
editing this copy changes nothing except your own understanding.
"""

import jax, jax.numpy as jnp
import numpy as np

B, L, V, C = 4096, 200, 1000, 9

def setup_inputs(seed: int = 0):
    key = jax.random.key(seed)
    k1, k2 = jax.random.split(key)
    ids = jax.random.randint(k1, (B, L), 0, 990, dtype=jnp.int32)
    W = jax.random.normal(k2, (C, V), dtype=jnp.float32) * 0.02
    b = jnp.zeros((C,), dtype=jnp.float32)
    return {"ids": ids, "W": W, "b": b}

def reference(ids, W, b):
    # bag-of-words histogram per row via scatter-add (counts of each word id)
    rows = jnp.repeat(jnp.arange(B, dtype=jnp.int32), L)
    bow = jnp.zeros((B, V), dtype=jnp.float32).at[rows, ids.reshape(-1)].add(1.0)
    logits = bow @ W.T + b
    return jax.nn.log_softmax(logits, axis=1)

if __name__ == "__main__":
    import jax
    _d = setup_inputs()
    print(jax.jit(kernel)(*tuple(_d.values())))

</pallas_src>

<mosaic_0001>
#map = affine_map<(d0, d1) -> (0, 0)>
#map1 = affine_map<(d0, d1) -> (0)>
module attributes {stable_mosaic.version = 14 : i64} {
  func.func @sc_kernel(%arg0: i32, %arg1: i32, %arg2: memref<4096x200xi32, #tpu.memory_space<hbm>>, %arg3: memref<16384xf32, #tpu.memory_space<hbm>>, %arg4: memref<524288xf32, #tpu.memory_space<hbm>>, %arg5: memref<128x200xi32, #tpu.memory_space<vmem>>, %arg6: memref<16384xf32, #tpu.memory_space<vmem>>, %arg7: memref<16384xf32, #tpu.memory_space<vmem>>) attributes {dimension_semantics = [#tpu.dimension_semantics<core_parallel>, #tpu.dimension_semantics<subcore_parallel>], iteration_bounds = array<i64: 2, 16>, scalar_prefetch = 0 : i64, scratch_operands = 3 : i64, tpu.core_type = #tpu.core_type<sc_vector_subcore>, window_params = [{transform_indices = #map}, {transform_indices = #map1}, {transform_indices = #map1}]} {
    %mul3A = arith.constant 2 : i32
    %mul3A_0 = arith.muli %arg1, %mul3A : i32
    %add3A = arith.addi %mul3A_0, %arg0 : i32
    %mul3A_1 = arith.constant 128 : i32
    %mul3A_2 = arith.muli %add3A, %mul3A_1 : i32
    "tpu.region"() ({
      %run_scoped3A = tpu.sem_alloc : memref<!tpu.dma_semaphore, #tpu.memory_space<semaphore_mem>>
      %dma_start3A = arith.constant 0 : i32
      %dma_start3A_20 = tpu.memref_slice %arg2[%mul3A_2, %dma_start3A] : memref<4096x200xi32, #tpu.memory_space<hbm>> -> memref<128x200xi32, #tpu.memory_space<hbm>>
      %dma_start3A_21 = arith.constant 0 : i32
      %dma_start3A_22 = tpu.memref_slice %arg2[%mul3A_2, %dma_start3A_21] : memref<4096x200xi32, #tpu.memory_space<hbm>> -> memref<128x200xi32, #tpu.memory_space<hbm>>
      tpu.enqueue_dma source(%dma_start3A_22 : memref<128x200xi32, #tpu.memory_space<hbm>>) target(%arg5 : memref<128x200xi32, #tpu.memory_space<vmem>>) target_semaphore(%run_scoped3A : memref<!tpu.dma_semaphore, #tpu.memory_space<semaphore_mem>>)
      %dma_wait3A = arith.constant 0 : i32
      %dma_wait3A_23 = tpu.memref_slice %arg2[%mul3A_2, %dma_wait3A] : memref<4096x200xi32, #tpu.memory_space<hbm>> -> memref<128x200xi32, #tpu.memory_space<hbm>>
      %dma_wait3A_24 = arith.constant 0 : i32
      %dma_wait3A_25 = tpu.memref_slice %arg2[%mul3A_2, %dma_wait3A_24] : memref<4096x200xi32, #tpu.memory_space<hbm>> -> memref<128x200xi32, #tpu.memory_space<hbm>>
      tpu.wait_dma2 semaphore(%run_scoped3A : memref<!tpu.dma_semaphore, #tpu.memory_space<semaphore_mem>>) src(%dma_wait3A_25 : memref<128x200xi32, #tpu.memory_space<hbm>>) dst(%arg5 : memref<128x200xi32, #tpu.memory_space<vmem>>)
      tpu.yield
    }) : () -> ()
    "tpu.region"() ({
      %run_scoped3A = tpu.sem_alloc : memref<!tpu.dma_semaphore, #tpu.memory_space<semaphore_mem>>
      tpu.enqueue_dma source(%arg3 : memref<16384xf32, #tpu.memory_space<hbm>>) target(%arg6 : memref<16384xf32, #tpu.memory_space<vmem>>) target_semaphore(%run_scoped3A : memref<!tpu.dma_semaphore, #tpu.memory_space<semaphore_mem>>)
      tpu.wait_dma2 semaphore(%run_scoped3A : memref<!tpu.dma_semaphore, #tpu.memory_space<semaphore_mem>>) src(%arg3 : memref<16384xf32, #tpu.memory_space<hbm>>) dst(%arg6 : memref<16384xf32, #tpu.memory_space<vmem>>)
      tpu.yield
    }) : () -> ()
    %broadcast_in_dim3A = arith.constant 0.000000e+00 : f32
    %broadcast_in_dim3A_3 = vector.broadcast %broadcast_in_dim3A : f32 to vector<16xf32>
    %broadcast_in_dim3A_4 = arith.constant 0.000000e+00 : f32
    %broadcast_in_dim3A_5 = vector.broadcast %broadcast_in_dim3A_4 : f32 to vector<16xf32>
    %broadcast_in_dim3A_6 = arith.constant 0.000000e+00 : f32
    %broadcast_in_dim3A_7 = vector.broadcast %broadcast_in_dim3A_6 : f32 to vector<16xf32>
    %broadcast_in_dim3A_8 = arith.constant 0.000000e+00 : f32
    %broadcast_in_dim3A_9 = vector.broadcast %broadcast_in_dim3A_8 : f32 to vector<16xf32>
    %scan3A = arith.constant 0 : i32
    %scan3A_10 = arith.constant 0 : i32
    %scan3A_11 = arith.constant 64 : i32
    %scan3A_12 = arith.addi %scan3A_10, %scan3A_11 : i32
    %scan3A_13 = arith.constant 1 : i32
    %scan3A_14 = scf.for %scan3A_20 = %scan3A_10 to %scan3A_12 step %scan3A_13 iter_args(%scan3A_21 = %scan3A) -> (i32)  : i32 {
      %mul3A_22 = arith.constant 2 : i32
      %mul3A_23 = arith.muli %scan3A_20, %mul3A_22 : i32
      %scan3A_24 = arith.constant 0 : i32
      %scan3A_25 = arith.constant 12 : i32
      %scan3A_26 = arith.addi %scan3A_24, %scan3A_25 : i32
      %scan3A_27 = arith.constant 1 : i32
      %scan3A_28:8 = scf.for %scan3A_163 = %scan3A_24 to %scan3A_26 step %scan3A_27 iter_args(%scan3A_164 = %broadcast_in_dim3A_3, %scan3A_165 = %broadcast_in_dim3A_5, %scan3A_166 = %broadcast_in_dim3A_7, %scan3A_167 = %broadcast_in_dim3A_9, %scan3A_168 = %broadcast_in_dim3A_3, %scan3A_169 = %broadcast_in_dim3A_5, %scan3A_170 = %broadcast_in_dim3A_7, %scan3A_171 = %broadcast_in_dim3A_9) -> (vector<16xf32>, vector<16xf32>, vector<16xf32>, vector<16xf32>, vector<16xf32>, vector<16xf32>, vector<16xf32>, vector<16xf32>)  : i32 {
        %mul3A_172 = arith.constant 16 : i32
        %mul3A_173 = arith.muli %scan3A_163, %mul3A_172 : i32
        %get3A_174 = arith.index_cast %mul3A_23 : i32 to index
        %get3A_175 = arith.index_cast %mul3A_173 : i32 to index
        %get3A_176 = tpu.vector_load %arg5[%get3A_174, %get3A_175] {strides = array<i32>} : memref<128x200xi32, #tpu.memory_space<vmem>>, vector<16xi32>,
        %add3A_177 = arith.constant 1 : i32
        %add3A_178 = arith.addi %mul3A_23, %add3A_177 : i32
        %mul3A_179 = arith.constant 16 : i32
        %mul3A_180 = arith.muli %scan3A_163, %mul3A_179 : i32
        %get3A_181 = arith.index_cast %add3A_178 : i32 to index
        %get3A_182 = arith.index_cast %mul3A_180 : i32 to index
        %get3A_183 = tpu.vector_load %arg5[%get3A_181, %get3A_182] {strides = array<i32>} : memref<128x200xi32, #tpu.memory_space<vmem>>, vector<16xi32>,
        %slice3A_184 = vector.extract_strided_slice %get3A_176 {offsets = [0], sizes = [1], strides = [1]} : vector<16xi32> to vector<1xi32>
        %squeeze3A_185 = vector.extract %slice3A_184[0] : i32 from vector<1xi32>
        %mul3A_186 = arith.constant 16 : i32
        %mul3A_187 = arith.muli %squeeze3A_185, %mul3A_186 : i32
        %get3A_188 = arith.index_cast %mul3A_187 : i32 to index
        %get3A_189 = tpu.vector_load %arg6[%get3A_188] {strides = array<i32>} : memref<16384xf32, #tpu.memory_space<vmem>>, vector<16xf32>,
        %add3A_190 = arith.addf %scan3A_164, %get3A_189 : vector<16xf32>
        %slice3A_191 = vector.extract_strided_slice %get3A_183 {offsets = [0], sizes = [1], strides = [1]} : vector<16xi32> to vector<1xi32>
        %squeeze3A_192 = vector.extract %slice3A_191[0] : i32 from vector<1xi32>
        %mul3A_193 = arith.constant 16 : i32
        %mul3A_194 = arith.muli %squeeze3A_192, %mul3A_193 : i32
        %get3A_195 = arith.index_cast %mul3A_194 : i32 to index
        %get3A_196 = tpu.vector_load %arg6[%get3A_195] {strides = array<i32>} : memref<16384xf32, #tpu.memory_space<vmem>>, vector<16xf32>,
        %add3A_197 = arith.addf %scan3A_168, %get3A_196 : vector<16xf32>
        %slice3A_198 = vector.extract_strided_slice %get3A_176 {offsets = [1], sizes = [1], strides = [1]} : vector<16xi32> to vector<1xi32>
        %squeeze3A_199 = vector.extract %slice3A_198[0] : i32 from vector<1xi32>
        %mul3A_200 = arith.constant 16 : i32
        %mul3A_201 = arith.muli %squeeze3A_199, %mul3A_200 : i32
        %get3A_202 = arith.index_cast %mul3A_201 : i32 to index
        %get3A_203 = tpu.vector_load %arg6[%get3A_202] {strides = array<i32>} : memref<16384xf32, #tpu.memory_space<vmem>>, vector<16xf32>,
        %add3A_204 = arith.addf %scan3A_165, %get3A_203 : vector<16xf32>
        %slice3A_205 = vector.extract_strided_slice %get3A_183 {offsets = [1], sizes = [1], strides = [1]} : vector<16xi32> to vector<1xi32>
        %squeeze3A_206 = vector.extract %slice3A_205[0] : i32 from vector<1xi32>
        %mul3A_207 = arith.constant 16 : i32
        %mul3A_208 = arith.muli %squeeze3A_206, %mul3A_207 : i32
        %get3A_209 = arith.index_cast %mul3A_208 : i32 to index
        %get3A_210 = tpu.vector_load %arg6[%get3A_209] {strides = array<i32>} : memref<16384xf32, #tpu.memory_space<vmem>>, vector<16xf32>,
        %add3A_211 = arith.addf %scan3A_169, %get3A_210 : vector<16xf32>
        %slice3A_212 = vector.extract_strided_slice %get3A_176 {offsets = [2], sizes = [1], strides = [1]} : vector<16xi32> to vector<1xi32>
        %squeeze3A_213 = vector.extract %slice3A_212[0] : i32 from vector<1xi32>
        %mul3A_214 = arith.constant 16 : i32
        %mul3A_215 = arith.muli %squeeze3A_213, %mul3A_214 : i32
        %get3A_216 = arith.index_cast %mul3A_215 : i32 to index
        %get3A_217 = tpu.vector_load %arg6[%get3A_216] {strides = array<i32>} : memref<16384xf32, #tpu.memory_space<vmem>>, vector<16xf32>,
        %add3A_218 = arith.addf %scan3A_166, %get3A_217 : vector<16xf32>
        %slice3A_219 = vector.extract_strided_slice %get3A_183 {offsets = [2], sizes = [1], strides = [1]} : vector<16xi32> to vector<1xi32>
        %squeeze3A_220 = vector.extract %slice3A_219[0] : i32 from vector<1xi32>
        %mul3A_221 = arith.constant 16 : i32
        %mul3A_222 = arith.muli %squeeze3A_220, %mul3A_221 : i32
        %get3A_223 = arith.index_cast %mul3A_222 : i32 to index
        %get3A_224 = tpu.vector_load %arg6[%get3A_223] {strides = array<i32>} : memref<16384xf32, #tpu.memory_space<vmem>>, vector<16xf32>,
        %add3A_225 = arith.addf %scan3A_170, %get3A_224 : vector<16xf32>
        %slice3A_226 = vector.extract_strided_slice %get3A_176 {offsets = [3], sizes = [1], strides = [1]} : vector<16xi32> to vector<1xi32>
        %squeeze3A_227 = vector.extract %slice3A_226[0] : i32 from vector<1xi32>
        %mul3A_228 = arith.constant 16 : i32
        %mul3A_229 = arith.muli %squeeze3A_227, %mul3A_228 : i32
        %get3A_230 = arith.index_cast %mul3A_229 : i32 to index
        %get3A_231 = tpu.vector_load %arg6[%get3A_230] {strides = array<i32>} : memref<16384xf32, #tpu.memory_space<vmem>>, vector<16xf32>,
        %add3A_232 = arith.addf %scan3A_167, %get3A_231 : vector<16xf32>
        %slice3A_233 = vector.extract_strided_slice %get3A_183 {offsets = [3], sizes = [1], strides = [1]} : vector<16xi32> to vector<1xi32>
        %squeeze3A_234 = vector.extract %slice3A_233[0] : i32 from vector<1xi32>
        %mul3A_235 = arith.constant 16 : i32
        %mul3A_236 = arith.muli %squeeze3A_234, %mul3A_235 : i32
        %get3A_237 = arith.index_cast %mul3A_236 : i32 to index
        %get3A_238 = tpu.vector_load %arg6[%get3A_237] {strides = array<i32>} : memref<16384xf32, #tpu.memory_space<vmem>>, vector<16xf32>,
        %add3A_239 = arith.addf %scan3A_171, %get3A_238 : vector<16xf32>
        %slice3A_240 = vector.extract_strided_slice %get3A_176 {offsets = [4], sizes = [1], strides = [1]} : vector<16xi32> to vector<1xi32>
        %squeeze3A_241 = vector.extract %slice3A_240[0] : i32 from vector<1xi32>
        %mul3A_242 = arith.constant 16 : i32
        %mul3A_243 = arith.muli %squeeze3A_241, %mul3A_242 : i32
        %get3A_244 = arith.index_cast %mul3A_243 : i32 to index
        %get3A_245 = tpu.vector_load %arg6[%get3A_244] {strides = array<i32>} : memref<16384xf32, #tpu.memory_space<vmem>>, vector<16xf32>,
        %add3A_246 = arith.addf %add3A_190, %get3A_245 : vector<16xf32>
        %slice3A_247 = vector.extract_strided_slice %get3A_183 {offsets = [4], sizes = [1], strides = [1]} : vector<16xi32> to vector<1xi32>
        %squeeze3A_248 = vector.extract %slice3A_247[0] : i32 from vector<1xi32>
        %mul3A_249 = arith.constant 16 : i32
        %mul3A_250 = arith.muli %squeeze3A_248, %mul3A_249 : i32
        %get3A_251 = arith.index_cast %mul3A_250 : i32 to index
        %get3A_252 = tpu.vector_load %arg6[%get3A_251] {strides = array<i32>} : memref<16384xf32, #tpu.memory_space<vmem>>, vector<16xf32>,
        %add3A_253 = arith.addf %add3A_197, %get3A_252 : vector<16xf32>
        %slice3A_254 = vector.extract_strided_slice %get3A_176 {offsets = [5], sizes = [1], strides = [1]} : vector<16xi32> to vector<1xi32>
        %squeeze3A_255 = vector.extract %slice3A_254[0] : i32 from vector<1xi32>
        %mul3A_256 = arith.constant 16 : i32
        %mul3A_257 = arith.muli %squeeze3A_255, %mul3A_256 : i32
        %get3A_258 = arith.index_cast %mul3A_257 : i32 to index
        %get3A_259 = tpu.vector_load %arg6[%get3A_258] {strides = array<i32>} : memref<16384xf32, #tpu.memory_space<vmem>>, vector<16xf32>,
        %add3A_260 = arith.addf %add3A_204, %get3A_259 : vector<16xf32>
        %slice3A_261 = vector.extract_strided_slice %get3A_183 {offsets = [5], sizes = [1], strides = [1]} : vector<16xi32> to vector<1xi32>
        %squeeze3A_262 = vector.extract %slice3A_261[0] : i32 from vector<1xi32>
        %mul3A_263 = arith.constant 16 : i32
        %mul3A_264 = arith.muli %squeeze3A_262, %mul3A_263 : i32
        %get3A_265 = arith.index_cast %mul3A_264 : i32 to index
        %get3A_266 = tpu.vector_load %arg6[%get3A_265] {strides = array<i32>} : memref<16384xf32, #tpu.memory_space<vmem>>, vector<16xf32>,
        %add3A_267 = arith.addf %add3A_211, %get3A_266 : vector<16xf32>
        %slice3A_268 = vector.extract_strided_slice %get3A_176 {offsets = [6], sizes = [1], strides = [1]} : vector<16xi32> to vector<1xi32>
        %squeeze3A_269 = vector.extract %slice3A_268[0] : i32 from vector<1xi32>
        %mul3A_270 = arith.constant 16 : i32
        %mul3A_271 = arith.muli %squeeze3A_269, %mul3A_270 : i32
        %get3A_272 = arith.index_cast %mul3A_271 : i32 to index
        %get3A_273 = tpu.vector_load %arg6[%get3A_272] {strides = array<i32>} : memref<16384xf32, #tpu.memory_space<vmem>>, vector<16xf32>,
        %add3A_274 = arith.addf %add3A_218, %get3A_273 : vector<16xf32>
        %slice3A_275 = vector.extract_strided_slice %get3A_183 {offsets = [6], sizes = [1], strides = [1]} : vector<16xi32> to vector<1xi32>
        %squeeze3A_276 = vector.extract %slice3A_275[0] : i32 from vector<1xi32>
        %mul3A_277 = arith.constant 16 : i32
        %mul3A_278 = arith.muli %squeeze3A_276, %mul3A_277 : i32
        %get3A_279 = arith.index_cast %mul3A_278 : i32 to index
        %get3A_280 = tpu.vector_load %arg6[%get3A_279] {strides = array<i32>} : memref<16384xf32, #tpu.memory_space<vmem>>, vector<16xf32>,
        %add3A_281 = arith.addf %add3A_225, %get3A_280 : vector<16xf32>
        %slice3A_282 = vector.extract_strided_slice %get3A_176 {offsets = [7], sizes = [1], strides = [1]} : vector<16xi32> to vector<1xi32>
        %squeeze3A_283 = vector.extract %slice3A_282[0] : i32 from vector<1xi32>
        %mul3A_284 = arith.constant 16 : i32
        %mul3A_285 = arith.muli %squeeze3A_283, %mul3A_284 : i32
        %get3A_286 = arith.index_cast %mul3A_285 : i32 to index
        %get3A_287 = tpu.vector_load %arg6[%get3A_286] {strides = array<i32>} : memref<16384xf32, #tpu.memory_space<vmem>>, vector<16xf32>,
        %add3A_288 = arith.addf %add3A_232, %get3A_287 : vector<16xf32>
        %slice3A_289 = vector.extract_strided_slice %get3A_183 {offsets = [7], sizes = [1], strides = [1]} : vector<16xi32> to vector<1xi32>
        %squeeze3A_290 = vector.extract %slice3A_289[0] : i32 from vector<1xi32>
        %mul3A_291 = arith.constant 16 : i32
        %mul3A_292 = arith.muli %squeeze3A_290, %mul3A_291 : i32
        %get3A_293 = arith.index_cast %mul3A_292 : i32 to index
        %get3A_294 = tpu.vector_load %arg6[%get3A_293] {strides = array<i32>} : memref<16384xf32, #tpu.memory_space<vmem>>, vector<16xf32>,
        %add3A_295 = arith.addf %add3A_239, %get3A_294 : vector<16xf32>
        %slice3A_296 = vector.extract_strided_slice %get3A_176 {offsets = [8], sizes = [1], strides = [1]} : vector<16xi32> to vector<1xi32>
        %squeeze3A_297 = vector.extract %slice3A_296[0] : i32 from vector<1xi32>
        %mul3A_298 = arith.constant 16 : i32
        %mul3A_299 = arith.muli %squeeze3A_297, %mul3A_298 : i32
        %get3A_300 = arith.index_cast %mul3A_299 : i32 to index
        %get3A_301 = tpu.vector_load %arg6[%get3A_300] {strides = array<i32>} : memref<16384xf32, #tpu.memory_space<vmem>>, vector<16xf32>,
        %add3A_302 = arith.addf %add3A_246, %get3A_301 : vector<16xf32>
        %slice3A_303 = vector.extract_strided_slice %get3A_183 {offsets = [8], sizes = [1], strides = [1]} : vector<16xi32> to vector<1xi32>
        %squeeze3A_304 = vector.extract %slice3A_303[0] : i32 from vector<1xi32>
        %mul3A_305 = arith.constant 16 : i32
        %mul3A_306 = arith.muli %squeeze3A_304, %mul3A_305 : i32
        %get3A_307 = arith.index_cast %mul3A_306 : i32 to index
        %get3A_308 = tpu.vector_load %arg6[%get3A_307] {strides = array<i32>} : memref<16384xf32, #tpu.memory_space<vmem>>, vector<16xf32>,
        %add3A_309 = arith.addf %add3A_253, %get3A_308 : vector<16xf32>
        %slice3A_310 = vector.extract_strided_slice %get3A_176 {offsets = [9], sizes = [1], strides = [1]} : vector<16xi32> to vector<1xi32>
        %squeeze3A_311 = vector.extract %slice3A_310[0] : i32 from vector<1xi32>
        %mul3A_312 = arith.constant 16 : i32
        %mul3A_313 = arith.muli %squeeze3A_311, %mul3A_312 : i32
        %get3A_314 = arith.index_cast %mul3A_313 : i32 to index
        %get3A_315 = tpu.vector_load %arg6[%get3A_314] {strides = array<i32>} : memref<16384xf32, #tpu.memory_space<vmem>>, vector<16xf32>,
        %add3A_316 = arith.addf %add3A_260, %get3A_315 : vector<16xf32>
        %slice3A_317 = vector.extract_strided_slice %get3A_183 {offsets = [9], sizes = [1], strides = [1]} : vector<16xi32> to vector<1xi32>
        %squeeze3A_318 = vector.extract %slice3A_317[0] : i32 from vector<1xi32>
        %mul3A_319 = arith.constant 16 : i32
        %mul3A_320 = arith.muli %squeeze3A_318, %mul3A_319 : i32
        %get3A_321 = arith.index_cast %mul3A_320 : i32 to index
        %get3A_322 = tpu.vector_load %arg6[%get3A_321] {strides = array<i32>} : memref<16384xf32, #tpu.memory_space<vmem>>, vector<16xf32>,
        %add3A_323 = arith.addf %add3A_267, %get3A_322 : vector<16xf32>
        %slice3A_324 = vector.extract_strided_slice %get3A_176 {offsets = [10], sizes = [1], strides = [1]} : vector<16xi32> to vector<1xi32>
        %squeeze3A_325 = vector.extract %slice3A_324[0] : i32 from vector<1xi32>
        %mul3A_326 = arith.constant 16 : i32
        %mul3A_327 = arith.muli %squeeze3A_325, %mul3A_326 : i32
        %get3A_328 = arith.index_cast %mul3A_327 : i32 to index
        %get3A_329 = tpu.vector_load %arg6[%get3A_328] {strides = array<i32>} : memref<16384xf32, #tpu.memory_space<vmem>>, vector<16xf32>,
        %add3A_330 = arith.addf %add3A_274, %get3A_329 : vector<16xf32>
        %slice3A_331 = vector.extract_strided_slice %get3A_183 {offsets = [10], sizes = [1], strides = [1]} : vector<16xi32> to vector<1xi32>
        %squeeze3A_332 = vector.extract %slice3A_331[0] : i32 from vector<1xi32>
        %mul3A_333 = arith.constant 16 : i32
        %mul3A_334 = arith.muli %squeeze3A_332, %mul3A_333 : i32
        %get3A_335 = arith.index_cast %mul3A_334 : i32 to index
        %get3A_336 = tpu.vector_load %arg6[%get3A_335] {strides = array<i32>} : memref<16384xf32, #tpu.memory_space<vmem>>, vector<16xf32>,
        %add3A_337 = arith.addf %add3A_281, %get3A_336 : vector<16xf32>
        %slice3A_338 = vector.extract_strided_slice %get3A_176 {offsets = [11], sizes = [1], strides = [1]} : vector<16xi32> to vector<1xi32>
        %squeeze3A_339 = vector.extract %slice3A_338[0] : i32 from vector<1xi32>
        %mul3A_340 = arith.constant 16 : i32
        %mul3A_341 = arith.muli %squeeze3A_339, %mul3A_340 : i32
        %get3A_342 = arith.index_cast %mul3A_341 : i32 to index
        %get3A_343 = tpu.vector_load %arg6[%get3A_342] {strides = array<i32>} : memref<16384xf32, #tpu.memory_space<vmem>>, vector<16xf32>,
        %add3A_344 = arith.addf %add3A_288, %get3A_343 : vector<16xf32>
        %slice3A_345 = vector.extract_strided_slice %get3A_183 {offsets = [11], sizes = [1], strides = [1]} : vector<16xi32> to vector<1xi32>
        %squeeze3A_346 = vector.extract %slice3A_345[0] : i32 from vector<1xi32>
        %mul3A_347 = arith.constant 16 : i32
        %mul3A_348 = arith.muli %squeeze3A_346, %mul3A_347 : i32
        %get3A_349 = arith.index_cast %mul3A_348 : i32 to index
        %get3A_350 = tpu.vector_load %arg6[%get3A_349] {strides = array<i32>} : memref<16384xf32, #tpu.memory_space<vmem>>, vector<16xf32>,
        %add3A_351 = arith.addf %add3A_295, %get3A_350 : vector<16xf32>
        %slice3A_352 = vector.extract_strided_slice %get3A_176 {offsets = [12], sizes = [1], strides = [1]} : vector<16xi32> to vector<1xi32>
        %squeeze3A_353 = vector.extract %slice3A_352[0] : i32 from vector<1xi32>
        %mul3A_354 = arith.constant 16 : i32
        %mul3A_355 = arith.muli %squeeze3A_353, %mul3A_354 : i32
        %get3A_356 = arith.index_cast %mul3A_355 : i32 to index
        %get3A_357 = tpu.vector_load %arg6[%get3A_356] {strides = array<i32>} : memref<16384xf32, #tpu.memory_space<vmem>>, vector<16xf32>,
        %add3A_358 = arith.addf %add3A_302, %get3A_357 : vector<16xf32>
        %slice3A_359 = vector.extract_strided_slice %get3A_183 {offsets = [12], sizes = [1], strides = [1]} : vector<16xi32> to vector<1xi32>
        %squeeze3A_360 = vector.extract %slice3A_359[0] : i32 from vector<1xi32>
        %mul3A_361 = arith.constant 16 : i32
        %mul3A_362 = arith.muli %squeeze3A_360, %mul3A_361 : i32
        %get3A_363 = arith.index_cast %mul3A_362 : i32 to index
        %get3A_364 = tpu.vector_load %arg6[%get3A_363] {strides = array<i32>} : memref<16384xf32, #tpu.memory_space<vmem>>, vector<16xf32>,
        %add3A_365 = arith.addf %add3A_309, %get3A_364 : vector<16xf32>
        %slice3A_366 = vector.extract_strided_slice %get3A_176 {offsets = [13], sizes = [1], strides = [1]} : vector<16xi32> to vector<1xi32>
        %squeeze3A_367 = vector.extract %slice3A_366[0] : i32 from vector<1xi32>
        %mul3A_368 = arith.constant 16 : i32
        %mul3A_369 = arith.muli %squeeze3A_367, %mul3A_368 : i32
        %get3A_370 = arith.index_cast %mul3A_369 : i32 to index
        %get3A_371 = tpu.vector_load %arg6[%get3A_370] {strides = array<i32>} : memref<16384xf32, #tpu.memory_space<vmem>>, vector<16xf32>,
        %add3A_372 = arith.addf %add3A_316, %get3A_371 : vector<16xf32>
        %slice3A_373 = vector.extract_strided_slice %get3A_183 {offsets = [13], sizes = [1], strides = [1]} : vector<16xi32> to vector<1xi32>
        %squeeze3A_374 = vector.extract %slice3A_373[0] : i32 from vector<1xi32>
        %mul3A_375 = arith.constant 16 : i32
        %mul3A_376 = arith.muli %squeeze3A_374, %mul3A_375 : i32
        %get3A_377 = arith.index_cast %mul3A_376 : i32 to index
        %get3A_378 = tpu.vector_load %arg6[%get3A_377] {strides = array<i32>} : memref<16384xf32, #tpu.memory_space<vmem>>, vector<16xf32>,
        %add3A_379 = arith.addf %add3A_323, %get3A_378 : vector<16xf32>
        %slice3A_380 = vector.extract_strided_slice %get3A_176 {offsets = [14], sizes = [1], strides = [1]} : vector<16xi32> to vector<1xi32>
        %squeeze3A_381 = vector.extract %slice3A_380[0] : i32 from vector<1xi32>
        %mul3A_382 = arith.constant 16 : i32
        %mul3A_383 = arith.muli %squeeze3A_381, %mul3A_382 : i32
        %get3A_384 = arith.index_cast %mul3A_383 : i32 to index
        %get3A_385 = tpu.vector_load %arg6[%get3A_384] {strides = array<i32>} : memref<16384xf32, #tpu.memory_space<vmem>>, vector<16xf32>,
        %add3A_386 = arith.addf %add3A_330, %get3A_385 : vector<16xf32>
        %slice3A_387 = vector.extract_strided_slice %get3A_183 {offsets = [14], sizes = [1], strides = [1]} : vector<16xi32> to vector<1xi32>
        %squeeze3A_388 = vector.extract %slice3A_387[0] : i32 from vector<1xi32>
        %mul3A_389 = arith.constant 16 : i32
        %mul3A_390 = arith.muli %squeeze3A_388, %mul3A_389 : i32
        %get3A_391 = arith.index_cast %mul3A_390 : i32 to index
        %get3A_392 = tpu.vector_load %arg6[%get3A_391] {strides = array<i32>} : memref<16384xf32, #tpu.memory_space<vmem>>, vector<16xf32>,
        %add3A_393 = arith.addf %add3A_337, %get3A_392 : vector<16xf32>
        %slice3A_394 = vector.extract_strided_slice %get3A_176 {offsets = [15], sizes = [1], strides = [1]} : vector<16xi32> to vector<1xi32>
        %squeeze3A_395 = vector.extract %slice3A_394[0] : i32 from vector<1xi32>
        %mul3A_396 = arith.constant 16 : i32
        %mul3A_397 = arith.muli %squeeze3A_395, %mul3A_396 : i32
        %get3A_398 = arith.index_cast %mul3A_397 : i32 to index
        %get3A_399 = tpu.vector_load %arg6[%get3A_398] {strides = array<i32>} : memref<16384xf32, #tpu.memory_space<vmem>>, vector<16xf32>,
        %add3A_400 = arith.addf %add3A_344, %get3A_399 : vector<16xf32>
        %slice3A_401 = vector.extract_strided_slice %get3A_183 {offsets = [15], sizes = [1], strides = [1]} : vector<16xi32> to vector<1xi32>
        %squeeze3A_402 = vector.extract %slice3A_401[0] : i32 from vector<1xi32>
        %mul3A_403 = arith.constant 16 : i32
        %mul3A_404 = arith.muli %squeeze3A_402, %mul3A_403 : i32
        %get3A_405 = arith.index_cast %mul3A_404 : i32 to index
        %get3A_406 = tpu.vector_load %arg6[%get3A_405] {strides = array<i32>} : memref<16384xf32, #tpu.memory_space<vmem>>, vector<16xf32>,
        %add3A_407 = arith.addf %add3A_351, %get3A_406 : vector<16xf32>
        scf.yield %add3A_358, %add3A_372, %add3A_386, %add3A_400, %add3A_365, %add3A_379, %add3A_393, %add3A_407 : vector<16xf32>, vector<16xf32>, vector<16xf32>, vector<16xf32>, vector<16xf32>, vector<16xf32>, vector<16xf32>, vector<16xf32>
      }
      %scan3A_29 = arith.constant 12 : i32
      %get3A = arith.index_cast %mul3A_23 : i32 to index
      %get3A_30 = arith.constant 184 : index
      %get3A_31 = tpu.vector_load %arg5[%get3A, %get3A_30] {strides = array<i32>} : memref<128x200xi32, #tpu.memory_space<vmem>>, vector<16xi32>,
      %add3A_32 = arith.constant 1 : i32
      %add3A_33 = arith.addi %mul3A_23, %add3A_32 : i32
      %get3A_34 = arith.index_cast %add3A_33 : i32 to index
      %get3A_35 = arith.constant 184 : index
      %get3A_36 = tpu.vector_load %arg5[%get3A_34, %get3A_35] {strides = array<i32>} : memref<128x200xi32, #tpu.memory_space<vmem>>, vector<16xi32>,
      %slice3A = vector.extract_strided_slice %get3A_31 {offsets = [8], sizes = [1], strides = [1]} : vector<16xi32> to vector<1xi32>
      %squeeze3A = vector.extract %slice3A[0] : i32 from vector<1xi32>
      %mul3A_37 = arith.constant 16 : i32
      %mul3A_38 = arith.muli %squeeze3A, %mul3A_37 : i32
      %get3A_39 = arith.index_cast %mul3A_38 : i32 to index
      %get3A_40 = tpu.vector_load %arg6[%get3A_39] {strides = array<i32>} : memref<16384xf32, #tpu.memory_space<vmem>>, vector<16xf32>,
      %add3A_41 = arith.addf %scan3A_28#0, %get3A_40 : vector<16xf32>
      %slice3A_42 = vector.extract_strided_slice %get3A_36 {offsets = [8], sizes = [1], strides = [1]} : vector<16xi32> to vector<1xi32>
      %squeeze3A_43 = vector.extract %slice3A_42[0] : i32 from vector<1xi32>
      %mul3A_44 = arith.constant 16 : i32
      %mul3A_45 = arith.muli %squeeze3A_43, %mul3A_44 : i32
      %get3A_46 = arith.index_cast %mul3A_45 : i32 to index
      %get3A_47 = tpu.vector_load %arg6[%get3A_46] {strides = array<i32>} : memref<16384xf32, #tpu.memory_space<vmem>>, vector<16xf32>,
      %add3A_48 = arith.addf %scan3A_28#4, %get3A_47 : vector<16xf32>
      %slice3A_49 = vector.extract_strided_slice %get3A_31 {offsets = [9], sizes = [1], strides = [1]} : vector<16xi32> to vector<1xi32>
      %squeeze3A_50 = vector.extract %slice3A_49[0] : i32 from vector<1xi32>
      %mul3A_51 = arith.constant 16 : i32
      %mul3A_52 = arith.muli %squeeze3A_50, %mul3A_51 : i32
      %get3A_53 = arith.index_cast %mul3A_52 : i32 to index
      %get3A_54 = tpu.vector_load %arg6[%get3A_53] {strides = array<i32>} : memref<16384xf32, #tpu.memory_space<vmem>>, vector<16xf32>,
      %add3A_55 = arith.addf %scan3A_28#1, %get3A_54 : vector<16xf32>
      %slice3A_56 = vector.extract_strided_slice %get3A_36 {offsets = [9], sizes = [1], strides = [1]} : vector<16xi32> to vector<1xi32>
      %squeeze3A_57 = vector.extract %slice3A_56[0] : i32 from vector<1xi32>
      %mul3A_58 = arith.constant 16 : i32
      %mul3A_59 = arith.muli %squeeze3A_57, %mul3A_58 : i32
      %get3A_60 = arith.index_cast %mul3A_59 : i32 to index
      %get3A_61 = tpu.vector_load %arg6[%get3A_60] {strides = array<i32>} : memref<16384xf32, #tpu.memory_space<vmem>>, vector<16xf32>,
      %add3A_62 = arith.addf %scan3A_28#5, %get3A_61 : vector<16xf32>
      %slice3A_63 = vector.extract_strided_slice %get3A_31 {offsets = [10], sizes = [1], strides = [1]} : vector<16xi32> to vector<1xi32>
      %squeeze3A_64 = vector.extract %slice3A_63[0] : i32 from vector<1xi32>
      %mul3A_65 = arith.constant 16 : i32
      %mul3A_66 = arith.muli %squeeze3A_64, %mul3A_65 : i32
      %get3A_67 = arith.index_cast %mul3A_66 : i32 to index
      %get3A_68 = tpu.vector_load %arg6[%get3A_67] {strides = array<i32>} : memref<16384xf32, #tpu.memory_space<vmem>>, vector<16xf32>,
      %add3A_69 = arith.addf %scan3A_28#2, %get3A_68 : vector<16xf32>
      %slice3A_70 = vector.extract_strided_slice %get3A_36 {offsets = [10], sizes = [1], strides = [1]} : vector<16xi32> to vector<1xi32>
      %squeeze3A_71 = vector.extract %slice3A_70[0] : i32 from vector<1xi32>
      %mul3A_72 = arith.constant 16 : i32
      %mul3A_73 = arith.muli %squeeze3A_71, %mul3A_72 : i32
      %get3A_74 = arith.index_cast %mul3A_73 : i32 to index
      %get3A_75 = tpu.vector_load %arg6[%get3A_74] {strides = array<i32>} : memref<16384xf32, #tpu.memory_space<vmem>>, vector<16xf32>,
      %add3A_76 = arith.addf %scan3A_28#6, %get3A_75 : vector<16xf32>
      %slice3A_77 = vector.extract_strided_slice %get3A_31 {offsets = [11], sizes = [1], strides = [1]} : vector<16xi32> to vector<1xi32>
      %squeeze3A_78 = vector.extract %slice3A_77[0] : i32 from vector<1xi32>
      %mul3A_79 = arith.constant 16 : i32
      %mul3A_80 = arith.muli %squeeze3A_78, %mul3A_79 : i32
      %get3A_81 = arith.index_cast %mul3A_80 : i32 to index
      %get3A_82 = tpu.vector_load %arg6[%get3A_81] {strides = array<i32>} : memref<16384xf32, #tpu.memory_space<vmem>>, vector<16xf32>,
      %add3A_83 = arith.addf %scan3A_28#3, %get3A_82 : vector<16xf32>
      %slice3A_84 = vector.extract_strided_slice %get3A_36 {offsets = [11], sizes = [1], strides = [1]} : vector<16xi32> to vector<1xi32>
      %squeeze3A_85 = vector.extract %slice3A_84[0] : i32 from vector<1xi32>
      %mul3A_86 = arith.constant 16 : i32
      %mul3A_87 = arith.muli %squeeze3A_85, %mul3A_86 : i32
      %get3A_88 = arith.index_cast %mul3A_87 : i32 to index
      %get3A_89 = tpu.vector_load %arg6[%get3A_88] {strides = array<i32>} : memref<16384xf32, #tpu.memory_space<vmem>>, vector<16xf32>,
      %add3A_90 = arith.addf %scan3A_28#7, %get3A_89 : vector<16xf32>
      %slice3A_91 = vector.extract_strided_slice %get3A_31 {offsets = [12], sizes = [1], strides = [1]} : vector<16xi32> to vector<1xi32>
      %squeeze3A_92 = vector.extract %slice3A_91[0] : i32 from vector<1xi32>
      %mul3A_93 = arith.constant 16 : i32
      %mul3A_94 = arith.muli %squeeze3A_92, %mul3A_93 : i32
      %get3A_95 = arith.index_cast %mul3A_94 : i32 to index
      %get3A_96 = tpu.vector_load %arg6[%get3A_95] {strides = array<i32>} : memref<16384xf32, #tpu.memory_space<vmem>>, vector<16xf32>,
      %add3A_97 = arith.addf %add3A_41, %get3A_96 : vector<16xf32>
      %slice3A_98 = vector.extract_strided_slice %get3A_36 {offsets = [12], sizes = [1], strides = [1]} : vector<16xi32> to vector<1xi32>
      %squeeze3A_99 = vector.extract %slice3A_98[0] : i32 from vector<1xi32>
      %mul3A_100 = arith.constant 16 : i32
      %mul3A_101 = arith.muli %squeeze3A_99, %mul3A_100 : i32
      %get3A_102 = arith.index_cast %mul3A_101 : i32 to index
      %get3A_103 = tpu.vector_load %arg6[%get3A_102] {strides = array<i32>} : memref<16384xf32, #tpu.memory_space<vmem>>, vector<16xf32>,
      %add3A_104 = arith.addf %add3A_48, %get3A_103 : vector<16xf32>
      %slice3A_105 = vector.extract_strided_slice %get3A_31 {offsets = [13], sizes = [1], strides = [1]} : vector<16xi32> to vector<1xi32>
      %squeeze3A_106 = vector.extract %slice3A_105[0] : i32 from vector<1xi32>
      %mul3A_107 = arith.constant 16 : i32
      %mul3A_108 = arith.muli %squeeze3A_106, %mul3A_107 : i32
      %get3A_109 = arith.index_cast %mul3A_108 : i32 to index
      %get3A_110 = tpu.vector_load %arg6[%get3A_109] {strides = array<i32>} : memref<16384xf32, #tpu.memory_space<vmem>>, vector<16xf32>,
      %add3A_111 = arith.addf %add3A_55, %get3A_110 : vector<16xf32>
      %slice3A_112 = vector.extract_strided_slice %get3A_36 {offsets = [13], sizes = [1], strides = [1]} : vector<16xi32> to vector<1xi32>
      %squeeze3A_113 = vector.extract %slice3A_112[0] : i32 from vector<1xi32>
      %mul3A_114 = arith.constant 16 : i32
      %mul3A_115 = arith.muli %squeeze3A_113, %mul3A_114 : i32
      %get3A_116 = arith.index_cast %mul3A_115 : i32 to index
      %get3A_117 = tpu.vector_load %arg6[%get3A_116] {strides = array<i32>} : memref<16384xf32, #tpu.memory_space<vmem>>, vector<16xf32>,
      %add3A_118 = arith.addf %add3A_62, %get3A_117 : vector<16xf32>
      %slice3A_119 = vector.extract_strided_slice %get3A_31 {offsets = [14], sizes = [1], strides = [1]} : vector<16xi32> to vector<1xi32>
      %squeeze3A_120 = vector.extract %slice3A_119[0] : i32 from vector<1xi32>
      %mul3A_121 = arith.constant 16 : i32
      %mul3A_122 = arith.muli %squeeze3A_120, %mul3A_121 : i32
      %get3A_123 = arith.index_cast %mul3A_122 : i32 to index
      %get3A_124 = tpu.vector_load %arg6[%get3A_123] {strides = array<i32>} : memref<16384xf32, #tpu.memory_space<vmem>>, vector<16xf32>,
      %add3A_125 = arith.addf %add3A_69, %get3A_124 : vector<16xf32>
      %slice3A_126 = vector.extract_strided_slice %get3A_36 {offsets = [14], sizes = [1], strides = [1]} : vector<16xi32> to vector<1xi32>
      %squeeze3A_127 = vector.extract %slice3A_126[0] : i32 from vector<1xi32>
      %mul3A_128 = arith.constant 16 : i32
      %mul3A_129 = arith.muli %squeeze3A_127, %mul3A_128 : i32
      %get3A_130 = arith.index_cast %mul3A_129 : i32 to index
      %get3A_131 = tpu.vector_load %arg6[%get3A_130] {strides = array<i32>} : memref<16384xf32, #tpu.memory_space<vmem>>, vector<16xf32>,
      %add3A_132 = arith.addf %add3A_76, %get3A_131 : vector<16xf32>
      %slice3A_133 = vector.extract_strided_slice %get3A_31 {offsets = [15], sizes = [1], strides = [1]} : vector<16xi32> to vector<1xi32>
      %squeeze3A_134 = vector.extract %slice3A_133[0] : i32 from vector<1xi32>
      %mul3A_135 = arith.constant 16 : i32
      %mul3A_136 = arith.muli %squeeze3A_134, %mul3A_135 : i32
      %get3A_137 = arith.index_cast %mul3A_136 : i32 to index
      %get3A_138 = tpu.vector_load %arg6[%get3A_137] {strides = array<i32>} : memref<16384xf32, #tpu.memory_space<vmem>>, vector<16xf32>,
      %add3A_139 = arith.addf %add3A_83, %get3A_138 : vector<16xf32>
      %slice3A_140 = vector.extract_strided_slice %get3A_36 {offsets = [15], sizes = [1], strides = [1]} : vector<16xi32> to vector<1xi32>
      %squeeze3A_141 = vector.extract %slice3A_140[0] : i32 from vector<1xi32>
      %mul3A_142 = arith.constant 16 : i32
      %mul3A_143 = arith.muli %squeeze3A_141, %mul3A_142 : i32
      %get3A_144 = arith.index_cast %mul3A_143 : i32 to index
      %get3A_145 = tpu.vector_load %arg6[%get3A_144] {strides = array<i32>} : memref<16384xf32, #tpu.memory_space<vmem>>, vector<16xf32>,
      %add3A_146 = arith.addf %add3A_90, %get3A_145 : vector<16xf32>
      %add3A_147 = arith.addf %add3A_97, %add3A_111 : vector<16xf32>
      %add3A_148 = arith.addf %add3A_125, %add3A_139 : vector<16xf32>
      %add3A_149 = arith.addf %add3A_147, %add3A_148 : vector<16xf32>
      %mul3A_150 = arith.constant 128 : i32
      %mul3A_151 = arith.muli %mul3A_23, %mul3A_150 : i32
      %swap3A = arith.index_cast %mul3A_151 : i32 to index
      %swap3A_152 = tpu.vector_load %arg7[%swap3A] {strides = array<i32>} : memref<16384xf32, #tpu.memory_space<vmem>>, vector<16xf32>,
      tpu.vector_store %arg7[%swap3A], %add3A_149 {strides = array<i32>} : memref<16384xf32, #tpu.memory_space<vmem>>, vector<16xf32>,
      %add3A_153 = arith.addf %add3A_104, %add3A_118 : vector<16xf32>
      %add3A_154 = arith.addf %add3A_132, %add3A_146 : vector<16xf32>
      %add3A_155 = arith.addf %add3A_153, %add3A_154 : vector<16xf32>
      %mul3A_156 = arith.constant 128 : i32
      %mul3A_157 = arith.muli %mul3A_23, %mul3A_156 : i32
      %add3A_158 = arith.constant 128 : i32
      %add3A_159 = arith.addi %mul3A_157, %add3A_158 : i32
      %swap3A_160 = arith.index_cast %add3A_159 : i32 to index
      %swap3A_161 = tpu.vector_load %arg7[%swap3A_160] {strides = array<i32>} : memref<16384xf32, #tpu.memory_space<vmem>>, vector<16xf32>,
      tpu.vector_store %arg7[%swap3A_160], %add3A_155 {strides = array<i32>} : memref<16384xf32, #tpu.memory_space<vmem>>, vector<16xf32>,
      %scan3A_162 = arith.constant 0 : i32
      scf.yield %scan3A_162 : i32
    }
    %scan3A_15 = arith.constant 64 : i32
    %mul3A_16 = arith.constant 128 : i32
    %mul3A_17 = arith.muli %add3A, %mul3A_16 : i32
    %mul3A_18 = arith.constant 128 : i32
    %mul3A_19 = arith.muli %mul3A_17, %mul3A_18 : i32
    "tpu.region"() ({
      %run_scoped3A = tpu.sem_alloc : memref<!tpu.dma_semaphore, #tpu.memory_space<semaphore_mem>>
      %dma_start3A = tpu.memref_slice %arg4[%mul3A_19] : memref<524288xf32, #tpu.memory_space<hbm>> -> memref<16384xf32, #tpu.memory_space<hbm>>
      %dma_start3A_20 = tpu.memref_slice %arg4[%mul3A_19] : memref<524288xf32, #tpu.memory_space<hbm>> -> memref<16384xf32, #tpu.memory_space<hbm>>
      tpu.enqueue_dma source(%arg7 : memref<16384xf32, #tpu.memory_space<vmem>>) target(%dma_start3A_20 : memref<16384xf32, #tpu.memory_space<hbm>>) target_semaphore(%run_scoped3A : memref<!tpu.dma_semaphore, #tpu.memory_space<semaphore_mem>>)
      %dma_wait3A = tpu.memref_slice %arg4[%mul3A_19] : memref<524288xf32, #tpu.memory_space<hbm>> -> memref<16384xf32, #tpu.memory_space<hbm>>
      %dma_wait3A_21 = tpu.memref_slice %arg4[%mul3A_19] : memref<524288xf32, #tpu.memory_space<hbm>> -> memref<16384xf32, #tpu.memory_space<hbm>>
      tpu.wait_dma2 semaphore(%run_scoped3A : memref<!tpu.dma_semaphore, #tpu.memory_space<semaphore_mem>>) src(%arg7 : memref<16384xf32, #tpu.memory_space<vmem>>) dst(%dma_wait3A_21 : memref<16384xf32, #tpu.memory_space<hbm>>)
      tpu.yield
    }) : () -> ()
    return
  }
}

module attributes {stable_mosaic.version = 14 : i64} {
  func.func @body(%arg0: memref<4096x128xf32, #tpu.memory_space<vmem>>, %arg1: memref<1x16xf32, #tpu.memory_space<vmem>>, %arg2: memref<4096x9xf32, #tpu.memory_space<vmem>>) attributes {dimension_semantics = [], scalar_prefetch = 0 : i64, scratch_operands = 0 : i64, tpu.core_type = #tpu.core_type<tc>} {
    %get3A = arith.constant 0 : index
    %get3A_0 = arith.constant 0 : index
    %get3A_1 = vector.load %arg0[%get3A, %get3A_0] : memref<4096x128xf32, #tpu.memory_space<vmem>>, vector<4096x16xf32>
    %get3A_2 = arith.constant 0 : index
    %get3A_3 = arith.constant 0 : index
    %get3A_4 = vector.load %arg1[%get3A_2, %get3A_3] : memref<1x16xf32, #tpu.memory_space<vmem>>, vector<1x16xf32>
    %add3A = vector.broadcast %get3A_4 : vector<1x16xf32> to vector<4096x16xf32>
    %add3A_5 = arith.addf %get3A_1, %add3A : vector<4096x16xf32>
    %iota3A = tpu.iota {dimensions = array<i32: 1>} : vector<4096x16xi32>
    %lt3A = arith.constant 9 : i32
    %lt3A_6 = vector.broadcast %lt3A : i32 to vector<4096x16xi32>
    %lt3A_7 = arith.cmpi slt, %iota3A, %lt3A_6 : vector<4096x16xi32>
    %jit3A = arith.constant -1.000000e+30 : f32
    %broadcast_in_dim3A = vector.broadcast %jit3A : f32 to vector<4096x16xf32>
    %select_n3A = arith.select %lt3A_7, %add3A_5, %broadcast_in_dim3A : vector<4096x16xi1>, vector<4096x16xf32>
    %reduce_max3A = arith.constant dense<0xFF800000> : vector<4096xf32>
    %reduce_max3A_8 = vector.multi_reduction <maximumf>, %select_n3A, %reduce_max3A [1] : vector<4096x16xf32> to vector<4096xf32>
    %broadcast_in_dim3A_9 = vector.shape_cast %reduce_max3A_8 : vector<4096xf32> to vector<4096x1xf32>
    %sub3A = vector.broadcast %broadcast_in_dim3A_9 : vector<4096x1xf32> to vector<4096x16xf32>
    %sub3A_10 = arith.subf %add3A_5, %sub3A : vector<4096x16xf32>
    %exp3A = math.exp %sub3A_10 : vector<4096x16xf32>
    %jit3A_11 = arith.constant 0.000000e+00 : f32
    %broadcast_in_dim3A_12 = vector.broadcast %jit3A_11 : f32 to vector<4096x16xf32>
    %select_n3A_13 = arith.select %lt3A_7, %exp3A, %broadcast_in_dim3A_12 : vector<4096x16xi1>, vector<4096x16xf32>
    %reduce_sum3A = arith.constant dense<0.000000e+00> : vector<4096xf32>
    %reduce_sum3A_14 = vector.multi_reduction <add>, %select_n3A_13, %reduce_sum3A [1] : vector<4096x16xf32> to vector<4096xf32>
    %broadcast_in_dim3A_15 = vector.shape_cast %reduce_sum3A_14 : vector<4096xf32> to vector<4096x1xf32>
    %log3A = math.log %broadcast_in_dim3A_15 : vector<4096x1xf32>
    %sub3A_16 = vector.broadcast %broadcast_in_dim3A_9 : vector<4096x1xf32> to vector<4096x16xf32>
    %sub3A_17 = arith.subf %add3A_5, %sub3A_16 : vector<4096x16xf32>
    %sub3A_18 = vector.broadcast %log3A : vector<4096x1xf32> to vector<4096x16xf32>
    %sub3A_19 = arith.subf %sub3A_17, %sub3A_18 : vector<4096x16xf32>
    %slice3A = vector.extract_strided_slice %sub3A_19 {offsets = [0, 0], sizes = [4096, 9], strides = [1, 1]} : vector<4096x16xf32> to vector<4096x9xf32>
    %swap3A = arith.constant 0 : index
    %swap3A_20 = arith.constant 0 : index
    %swap3A_21 = vector.load %arg2[%swap3A, %swap3A_20] : memref<4096x9xf32, #tpu.memory_space<vmem>>, vector<4096x9xf32>
    tpu.vector_store %arg2[%swap3A, %swap3A_20], %slice3A {strides = array<i32>} : memref<4096x9xf32, #tpu.memory_space<vmem>>, vector<4096x9xf32>,
    return
  }
}

</mosaic_0001>

<sc_bundles>
// kernel: kernel.4.cloned.1.call-start
scs
__scs_entry_jumppad:
0x0: {  	(pc) =	sbr.rel $0x88, $3  }
0x1: {  	(tag) =	ssettag $0x0;
	lr =	simm.s32 $0x1  }
0x2: {  	[smem:$0x3F9E] =	sst lr;
	_ =	strace $0xD0000000  }
0x3: {  	_ = 	snop  }
0x4: {  	_ = 	snop  }
0x5: {  	_ = 	snop  }
0x6: {  	_ = 	snop  }
0x7: {  	_ = 	snop  }
__scs_overlays_trampoline_lowered:
0x8: {  	[smem:$0x3FAD] =	sst s0  }
0x9: {  	[smem:$0x3FAE] =	sst s1  }
0xa: {  	[smem:$0x3FAF] =	sst s2  }
0xb: {  	[smem:$0x3FB0] =	sst s3  }
0xc: {  	[smem:$0x3FB1] =	sst s4  }
0xd: {  	[smem:$0x3FB2] =	sst s5  }
0xe: {  	[smem:$0x3FB3] =	sst s6  }
0xf: {  	[smem:$0x3FB4] =	sst s7  }
0x10: {  	[smem:$0x3FB5] =	sst s8  }
0x11: {  	[smem:$0x3FB6] =	sst s9;
	s0 =	simm.s32 @!p0 $0x0  }
0x12: {  	s1 =	sld [smem:$0x3F9C];
	s0 =	simm.s32 @p0 $0x1  }
0x13: {  	[smem:$0x3FB7] =	sst s0;
	s0 =	simm.s32 @!p1 $0x0  }
0x14: {  	s2 =	sld [smem:$0x3F9B];
	s0 =	simm.s32 @p1 $0x1  }
0x15: {  	[smem:$0x3FB8] =	sst s0;
	s0 =	simm.s32 @!p2 $0x0  }
0x16: {  	s3 =	sld [smem:$0x3FDB];
	s0 =	simm.s32 @p2 $0x1  }
0x17: {  	s4 =	simm.s32 $0x1BF5;
	[smem:$0x3FBA] =	sst s0  }
0x18: {  	s0 =	sld [smem:$0x3F9D];
	_ =	swait.ge [sflag:s4], $0x0  }
0x19: {  	s7 =	sld [smem:$0x3F9E]  }
0x1a: {  	s8 =	sadd.s32 $0xFFFFE003, lr  }
0x1b: {  	s9 =	sadd.s32 $0xFFFFFEF7, lr;
	s5 =	simm.s32 $0xFFFFFFFF;
	p2 =	slt.u32 s8, $0xFFFFF086  }
0x1c: {  	p1 =	slt.u32 s9, $0xF7A;
	s5 =	simm.s32 @!p2 $0x0  }
0x1d: {  	s5 =	simm.s32 @p1 $0x1;
	p0 =	seq.s32 s7, s2  }
0x1e: {  	s7 =	smul.u32 @!p0 $0xF7A, s2;
	p2 =	seq.s32 @!p0 s5, $0x0  }
0x1f: {  	s9 =	smul.u32 $0xF7A, s1;
	s8 =	simm.s32 @!p0 $0x1BF5;
	p2 =	por !p2, p0  }
0x20: {  	[sflag:s8] =	ssyncset.s32 @!p0 $0xFFFFF086;
	s6 =	sadd.s32 @!p0 s3, s7;
	s7 =	simm.s32 @!p0 $0x108  }
0x21: {  	s3 =	sadd.s32 s3, s9;
	s6 =	sadd.s32 @!p0 $0x88, s6;
	s7 =	simm.s32 @p2 $0x1082  }
0x22: {  	[simem:s7], [sflag:s8] =	dma.local @!p0 [hbm:s6], $0xF7A  }
0x23: {  	s9 =	sor.u32 $0xD0000000, s2;
	s6 =	simm.s32 $0x108;
	_ =	swait.ge @!p0 [sflag:s8], $0x0  }
0x24: {  	s3 =	sadd.s32 $0x88, s3;
	s6 =	simm.s32 @!p1 $0x1082;
	[sflag:s4] =	ssyncset.s32 $0xFFFFF086  }
0x25: {  	[simem:s6], [sflag:s4] =	dma.local [hbm:s3], $0xF7A  }
0x26: {  	[smem:$0x3F9E] =	sst s1;
	(tag) =	ssettag s2;
	_ =	strace s9  }
0x27: {  	s1 =	sld [smem:$0x3FAE]  }
0x28: {  	s2 =	sld [smem:$0x3FAF]  }
0x29: {  	s4 =	sld [smem:$0x3FB1]  }
0x2a: {  	p0 =	seq.s32 s5, $0x0;
	s5 =	sld [smem:$0x3FB2]  }
0x2b: {  	s6 =	sld [smem:$0x3FB3]  }
0x2c: {  	s7 =	sld [smem:$0x3FB4]  }
0x2d: {  	s3 =	simm.s32 $0x108;
	s8 =	sld [smem:$0x3FB5]  }
0x2e: {  	s3 =	simm.s32 @!p0 $0x1082;
	s9 =	sld [smem:$0x3FB6]  }
0x2f: {  	lr =	sadd.s32 s0, s3;
	s0 =	sld [smem:$0x3FAD]  }
0x30: {  	s3 =	sld [smem:$0x3FB0]  }
0x31: {  	[smem:$0x3FB9] =	sst s10  }
0x32: {  	s10 =	sld [smem:$0x3FB7];
	_ =	sdelay $0x3  }
0x33: {  	p0 =	seq.s32 s10, $0x1;
	s10 =	sld [smem:$0x3FB9];
	_ =	sdelay $0x3  }
0x34: {  	[smem:$0x3FB9] =	sst s10  }
0x35: {  	s10 =	sld [smem:$0x3FB8];
	_ =	sdelay $0x3  }
0x36: {  	p1 =	seq.s32 s10, $0x1;
	s10 =	sld [smem:$0x3FB9];
	_ =	sdelay $0x3  }
0x37: {  	[smem:$0x3FB9] =	sst s10  }
0x38: {  	s10 =	sld [smem:$0x3FBA]  }
0x39: {  	_ = 	snop;
	(pc) =	sbr.ind lr, $3  }
0x3a: {  	_ = 	snop  }
0x3b: {  	_ = 	snop  }
0x3c: {  	p2 =	seq.s32 s10, $0x1;
	s10 =	sld [smem:$0x3FB9]  }
0x3d: {  	_ =	shalt  }
0x3e: {  	_ =	shalt  }
0x3f: {  	_ =	shalt  }
0x40: {  	_ =	shalt  }
0x41: {  	_ =	shalt  }
0x42: {  	_ =	shalt  }
0x43: {  	_ =	shalt  }
0x44: {  	_ =	shalt  }
0x45: {  	_ =	shalt  }
0x46: {  	_ =	shalt  }
0x47: {  	_ =	shalt  }
0x48: {  	_ =	shalt  }
0x49: {  	_ =	shalt  }
0x4a: {  	_ =	shalt  }
0x4b: {  	_ =	shalt  }
0x4c: {  	_ =	shalt  }
0x4d: {  	_ =	shalt  }
0x4e: {  	_ =	shalt  }
0x4f: {  	_ =	shalt  }
0x50: {  	_ =	shalt  }
0x51: {  	_ =	shalt  }
0x52: {  	_ =	shalt  }
0x53: {  	_ =	shalt  }
0x54: {  	_ =	shalt  }
0x55: {  	_ =	shalt  }
0x56: {  	_ =	shalt  }
0x57: {  	_ =	shalt  }
0x58: {  	_ =	shalt  }
0x59: {  	_ =	shalt  }
0x5a: {  	_ =	shalt  }
0x5b: {  	_ =	shalt  }
0x5c: {  	_ =	shalt  }
0x5d: {  	_ =	shalt  }
0x5e: {  	_ =	shalt  }
0x5f: {  	_ =	shalt  }
0x60: {  	_ =	shalt  }
0x61: {  	_ =	shalt  }
0x62: {  	_ =	shalt  }
0x63: {  	_ =	shalt  }
0x64: {  	_ =	shalt  }
0x65: {  	_ =	shalt  }
0x66: {  	_ =	shalt  }
0x67: {  	_ =	shalt  }
0x68: {  	_ =	shalt  }
0x69: {  	_ =	shalt  }
0x6a: {  	_ =	shalt  }
0x6b: {  	_ =	shalt  }
0x6c: {  	_ =	shalt  }
0x6d: {  	_ =	shalt  }
0x6e: {  	_ =	shalt  }
0x6f: {  	_ =	shalt  }
0x70: {  	_ =	shalt  }
0x71: {  	_ =	shalt  }
0x72: {  	_ =	shalt  }
0x73: {  	_ =	shalt  }
0x74: {  	_ =	shalt  }
0x75: {  	_ =	shalt  }
0x76: {  	_ =	shalt  }
0x77: {  	_ =	shalt  }
0x78: {  	_ =	shalt  }
0x79: {  	_ =	shalt  }
0x7a: {  	_ =	shalt  }
0x7b: {  	_ =	shalt  }
0x7c: {  	_ =	shalt  }
0x7d: {  	_ =	shalt  }
0x7e: {  	_ =	shalt  }
0x7f: {  	_ =	shalt  }
0x80: {  	_ =	shalt  }
0x81: {  	_ =	shalt  }
0x82: {  	_ =	shalt  }
0x83: {  	_ =	shalt  }
0x84: {  	_ =	shalt  }
0x85: {  	_ =	shalt  }
0x86: {  	_ =	shalt  }
0x87: {  	_ =	shalt  }
.Lfunc_end0:
.L_simem_size_0:
called_computation_lowered:
.L_overlay_start_0:
0x88: {  	s2 =	sld [smem:$0x3FD9]  }
0x89: {  	s3 =	sld [smem:$0x3FFE];
	_ =	sdelay $0x1  }
0x8a: {  	s1 =	srdreg.scid  }
0x8b: {  	s0 =	sand.u32 $0x1, s1  }
0x8c: {  	s17 =	sshll.u32 s0, $0xA;
	s2 =	sadd.s32 s3, s2  }
0x8d: {  	s2 =	sadd.s32 s2, s17  }
0x8e: {  	[smem:$0x3FC5] =	sst s2  }
0x8f: {  	_ = 	snop  }
0x90: {  	s2 =	sld [smem:$0x3FD0];
	(tm) =	ssettm $0x1  }
0x91: {  	s18 =	sld [smem:$0x3FFB];
	_ =	sdelay $0x3  }
0x92: {  	_ =	strace s18  }
0x93: {  	s3 =	sld [smem:$0x3FFC];
	_ =	sdelay $0x3  }
0x94: {  	_ =	strace s3  }
0x95: {  	s3 =	sld [smem:$0x3FFD];
	_ =	sdelay $0x3  }
0x96: {  	_ =	strace s3  }
0x97: {  	_ =	strace $0x8FFFFFFF  }
0x98: {  	s19 =	sld [smem:$0x3FDB];
	_ =	sdelay $0x1  }
0x99: {  	s4 =	simm.s32 $_scs_section_size  }
0x9a: {  	s5 =	simm.s32 $_size__tile_overlayer_lowered;
	s6 =	simm.s32 $_tile_overlayer_lowered  }
0x9b: {  	s22 =	simm.s32 $0x1BFF;
	s21 =	sshll.u32 s6, $0x1;
	s3 =	sadd.s32 s4, s19  }
0x9c: {  	s7 =	simm.s32 $0x0;
	s20 =	sshll.u32 s5, $0x1;
	s5 =	sadd.s32 s21, s3  }
0x9d: {  	[timem:s7], [sflag:s22] =	dma.local [hbm:s5], s20  }
0x9e: {  	_ =	swait.ge [sflag:s22], s20  }
0x9f: {  	s4 =	ssub.s32 $0x0, s20;
	[sflag:s22] =	ssyncset.done $0x0  }
0xa0: {  	[sflag:s22] =	ssyncadd.s32 s4;
	_ =	sdelay $0x1  }
0xa1: {  	s23 =	simm.s32 $0x1B8B  }
0xa2: {  	_ =	swait.ge [sflag:s23], $0x1  }
0xa3: {  	[sflag:s23] =	ssyncset.done $0x0  }
0xa4: {  	s25 =	simm.s32 $0x1B8E;
	s24 =	sld [smem:$0x3FFE];
	[sflag:s23] =	ssyncadd.s32 $0xFFFFFFFF  }
0xa5: {  	s26 =	simm.s32 $execute0_lowered;
	[smem:$0x3FD2] =	sst s25  }
0xa6: {  	s5 =	sshll.u32 s26, $0x1;
	_ =	strace $0x80000046;
	[dreg:$0x1] =	wrdreg $0xFFFFFFFF  }
0xa7: {  	s28 =	simm.s32 $_size_execute0_lowered;
	s3 =	sadd.s32 s3, s5;
	[dreg:$0x0] =	wrdreg $0x0  }
0xa8: {  	s5 =	sshll.u32 s28, $0x1;
	[dreg:$0x2] =	wrdreg s3  }
0xa9: {  	[dreg:$0x3] =	wrdreg s5  }
0xaa: {  	[dreg:$0x4] =	wrdreg $0xC0  }
0xab: {  	_ =	task [dreg:s7], $0x5FFFF  }
0xac: {  	[dreg:$0x1] =	wrdreg $0xFFFFFFFF  }
0xad: {  	[dreg:$0x0] =	wrdreg $0x60  }
0xae: {  	[dreg:$0x2] =	wrdreg s24  }
0xaf: {  	[dreg:$0x3] =	wrdreg s2  }
0xb0: {  	[dreg:$0x4] =	wrdreg $0x9  }
0xb1: {  	_ =	task.clear_ibuf [dreg:s7], $0x5FFFF;
	_ =	strace $0x90000046  }
0xb2: {  	s29 =	simm.s32 $0x9;
	_ =	strace $0x80000048  }
0xb3: {  	_ =	swait.ge [sflag:s29], $0x1  }
0xb4: {  	[sflag:s29] =	ssyncadd.s32 $0xFFFFFFFF  }
0xb5: {  	_ =	strace $0x90000048  }
0xb6: {  	_ =	sfence  }
0xb7: {  	s30 =	sld [smem:$0x0];
	_ =	sdelay $0x2  }
0xb8: {  	s31 =	sshll.u32 s1, $0xD;
	s1 =	sshrl.u32 s1, $0x2  }
0xb9: {  	s3 =	sand.u32 $0x4000, s31;
	s1 =	sadd.s32 s1, s30  }
0xba: {  	s0 =	sor.u32 s3, s0;
	s1 =	sshll.u32 s1, $0x11  }
0xbb: {  	s0 =	sor.u32 s1, s0  }
0xbc: {  	s0 =	sadd.s32 $0x8F2B, s0  }
0xbd: {  	[sflag:s0] =	ssyncadd.remote.s32 $0x1  }
0xbe: {  	_ =	sfence.sel $0xFFFF  }
0xbf: {  	[dreg:$0x0] =	wrdreg $0xFFFFFFFF;
	(pc) =	sbr.abs _section_cstart, $3  }
0xc0: {  	[dreg:$0x1] =	wrdreg $0xFFFFFFFF  }
0xc1: {  	_ =	task.clear_ibuf [dreg:s7], $0x2FFFF;
	_ =	strace $0x9FFFFFFF  }
0xc2: {  	(tm) =	ssettm $0x7FFFFFFF  }
0xc3: {  	_ =	shalt  }
tec
execute0_lowered:
.L_overlay_start_1:
0x0: {  	(tag) =	ssettag $0x1  }
0x1: {  	s4 =	rddreg [dreg:$0x0]  }
0x2: {  	s2 =	rddreg [dreg:$0x1]  }
0x3: {  	s0 =	rddreg [dreg:$0x2];
	s5 =	srdreg.scid  }
0x4: {  	s1 =	stileid.u32;
	s3 =	simm.s32 $0x0;
	s9 =	simm.s32 $0xC000  }
0x5: {  	s5 =	sand.u32 $0x1, s5;
	s6 =	sshll.u32 s1, $0x1;
	[smem:$0x7FF] =	sst s3  }
0x6: {  	s10 =	simm.s32 $0x0;
	s6 =	sor.u32 s5, s6;
	_ =	strace $0x80000047  }
0x7: {  	s5 =	ssub.s32 $0x2, s5;
	s7 =	sshll.u32 s6, $0xC;
	s6 =	sshll.u32 s6, $0xB  }
0x8: {  	s8 =	sshrl.u32 s5, $0x1;
	s7 =	sadd.s32 s7, s4;
	s6 =	sadd.s32 s6, s4  }
0x9: {  	s8 =	ssub.s32 s5, s8;
	s4 =	sadd.s32 $0xA00, s7;
	s5 =	sadd.s32 $0x20A00, s6  }
0xa: {  	s6 =	smax.u32 s8, $0x1;
	s7 =	simm.s32 $0x1;
	s8 =	simm.s32 $0x8000  }
.LBB2_1:
0xb: {  	[tilespmem:s3], [sflag:$0x1] =	stream.linear.gather [hbm4b:s4+s3], $0x8000, $0x38;
	[tilespmem:$0x10000] =	vst v63  }
0xc: {  	_ =	swait.ge [sflag:s7], $0x8000  }
0xd: {  	[sflag:s7] =	ssyncset.done $0x0  }
0xe: {  	[sflag:s7] =	ssyncadd.s32 $0xFFFF8000  }
0xf: {  	[tilespmem:s8], [sflag:$0x1] =	stream.linear.gather [hbm4b:s2+s3], $0x4000, $0x38;
	[tilespmem:$0x10000] =	vst v63  }
0x10: {  	_ =	swait.ge [sflag:s7], $0x4000  }
0x11: {  	[sflag:s7] =	ssyncset.done $0x0  }
0x12: {  	s11 =	simm.s32 $0x0;
	[sflag:s7] =	ssyncadd.s32 $0xFFFFC000  }
.LBB2_2:
0x13: {  	s12 =	sshll.u32 s11, $0x8;
	s13 =	sshll.u32 s11, $0x9  }
0x14: {  	s15 =	simm.s32 $0x0;
	s13 =	sand.u32 $0x7800, s13;
	s14 =	sand.u32 $0x300, s12  }
0x15: {  	s20 =	sand.u32 $0x400, s15;
	s13 =	sor.u32 s14, s13  }
0x16: {  	s15 =	sand.u32 $0x70, s15;
	s14 =	sadd.s32 s20, s13  }
0x17: {  	s14 =	sadd.s32 s15, s14  }
0x18: {  	v0 =	vld [tilespmem:s14+$0x80];
	_ =	sdelay $0x2  }
0x19: {  	v1 =	vld [tilespmem:s14+$0x0];
	_ =	sdelay $0x1  }
0x1a: {  	v0 =	vshll.u32 v0, $0x6  }
0x1b: {  	v0 =	vshra.s32 v0, $0x2  }
0x1c: {  	v2 =	vadd.s32 $0x8000, v0  }
0x1d: {  	v0 =	vshll.u32 v1, $0x6;
	(v2sf) =	vpush v2, $0x1  }
0x1e: {  	v0 =	vshra.s32 v0, $0x2;
	(v2sf) =	vpush v2, $0xB  }
0x1f: {  	v1 =	vadd.s32 $0x8000, v0;
	(v2sf) =	vpush v2, $0x0  }
0x20: {  	(v2sf) =	vpush v1, $0x6  }
0x21: {  	(v2sf) =	vpush v2, $0x8  }
0x22: {  	(v2sf) =	vpush v2, $0x4  }
0x23: {  	(v2sf) =	vpush v2, $0xE  }
0x24: {  	(v2sf) =	vpush v2, $0x5  }
0x25: {  	(v2sf) =	vpush v2, $0x9  }
0x26: {  	(v2sf) =	vpush v2, $0x2  }
0x27: {  	(v2sf) =	vpush v2, $0x3  }
0x28: {  	(v2sf) =	vpush v2, $0xD  }
0x29: {  	(v2sf) =	vpush v2, $0x7  }
0x2a: {  	(v2sf) =	vpush v2, $0xA  }
0x2b: {  	s25 =	simm.s32 $0x80;
	(v2sf) =	vpush v1, $0x0  }
0x2c: {  	s18 =	simm.s32 $0x10;
	s15 =	sand.u32 $0x400, s25;
	s21 =	spop (v2sf);
	(v2sf) =	vpush v2, $0x6  }
0x2d: {  	s18 =	sand.u32 $0x70, s18;
	s15 =	sadd.s32 s15, s13;
	(v2sf) =	vpush v1, $0x1;
	s22 =	spop (v2sf)  }
0x2e: {  	s15 =	sadd.s32 s18, s15;
	s16 =	spop (v2sf);
	(v2sf) =	vpush v1, $0x2  }
0x2f: {  	v9 =	vld [tilespmem:s15+$0x80];
	s23 =	spop (v2sf);
	(v2sf) =	vpush v2, $0xF  }
0x30: {  	v12 =	vld [tilespmem:s15+$0x0];
	(v2sf) =	vpush v1, $0x4;
	s24 =	spop (v2sf)  }
0x31: {  	v6 =	vld [tilespmem:s21+$0x0];
	s14 =	spop (v2sf);
	(v2sf) =	vpush v1, $0x5  }
0x32: {  	v4 =	vld [tilespmem:s22+$0x0];
	(v2sf) =	vpush v1, $0x9;
	s17 =	spop (v2sf)  }
0x33: {  	v3 =	vld [tilespmem:s16+$0x0];
	s26 =	spop (v2sf);
	(v2sf) =	vpush v1, $0xA  }
0x34: {  	v5 =	vld [tilespmem:s23+$0x0];
	s28 =	spop (v2sf);
	(v2sf) =	vpush v1, $0xD  }
0x35: {  	v7 =	vld [tilespmem:s26+$0x0];
	s29 =	spop (v2sf);
	(v2sf) =	vpush v1, $0x8  }
0x36: {  	v0 =	vld [tilespmem:s24+$0x0];
	(v2sf) =	vpush v1, $0x3;
	s30 =	spop (v2sf)  }
0x37: {  	v11 =	vimm.f32 $0.0e+00;
	v8 =	vld [tilespmem:s28+$0x0];
	s31 =	spop (v2sf);
	(v2sf) =	vpush v1, $0xE  }
0x38: {  	v6 =	vadd.f32 v6, v11;
	v10 =	vld [tilespmem:s30+$0x0];
	s19 =	spop (v2sf);
	(v2sf) =	vpush v1, $0xC  }
0x39: {  	v13 =	vld [tilespmem:s31+$0x0];
	s20 =	spop (v2sf);
	(v2sf) =	vpush v1, $0x7  }
0x3a: {  	v6 =	vadd.f32 v7, v6;
	v7 =	vld [tilespmem:s29+$0x0];
	s21 =	spop (v2sf);
	(v2sf) =	vpush v1, $0xB  }
0x3b: {  	v14 =	vld [tilespmem:s19+$0x0];
	s22 =	spop (v2sf);
	(v2sf) =	vpush v1, $0xF;
	v1 =	vshll.u32 v9, $0x6  }
0x3c: {  	v17 =	vadd.f32 v3, v11;
	v6 =	vadd.f32 v8, v6;
	v8 =	vld [tilespmem:s22+$0x0];
	s23 =	spop (v2sf);
	v1 =	vshra.s32 v1, $0x2  }
0x3d: {  	v19 =	vld [tilespmem:s14+$0x0];
	(v2sf) =	vpush v2, $0xC;
	v2 =	vadd.f32 v10, v11;
	s24 =	spop (v2sf);
	v3 =	vadd.s32 $0x8000, v1  }
0x3e: {  	v10 =	vld [tilespmem:s20+$0x0];
	v1 =	vadd.f32 v13, v6;
	v6 =	vshll.u32 v12, $0x6;
	s25 =	spop (v2sf);
	(v2sf) =	vpush v3, $0x1  }
0x3f: {  	v7 =	vadd.f32 v7, v11;
	v6 =	vshra.s32 v6, $0x2;
	v12 =	vld [tilespmem:s25+$0x0];
	s26 =	spop (v2sf);
	(v2sf) =	vpush v3, $0xB  }
0x40: {  	v13 =	vld [tilespmem:s17+$0x0];
	v2 =	vadd.f32 v14, v2;
	v6 =	vadd.s32 $0x8000, v6;
	s28 =	spop (v2sf);
	(v2sf) =	vpush v3, $0x0  }
0x41: {  	v9 =	vld [tilespmem:s23+$0x0];
	v7 =	vadd.f32 v8, v7;
	s29 =	spop (v2sf);
	(v2sf) =	vpush v6, $0x6  }
0x42: {  	v2 =	vadd.f32 v4, v2;
	v8 =	vld [tilespmem:s24+$0x0];
	s30 =	spop (v2sf);
	(v2sf) =	vpush v3, $0x8  }
0x43: {  	v14 =	vld [tilespmem:s21+$0x0];
	v7 =	vadd.f32 v10, v7;
	s31 =	spop (v2sf);
	(v2sf) =	vpush v3, $0x4  }
0x44: {  	v10 =	vld [tilespmem:s28+$0x0];
	v4 =	vadd.f32 v12, v2;
	s19 =	spop (v2sf);
	(v2sf) =	vpush v3, $0xE  }
0x45: {  	v15 =	vld [tilespmem:s26+$0x0];
	v2 =	vadd.f32 v13, v7;
	s20 =	spop (v2sf);
	(v2sf) =	vpush v3, $0x5  }
0x46: {  	v7 =	vadd.f32 v9, v11;
	v13 =	vld [tilespmem:s30+$0x0];
	(v2sf) =	vpush v3, $0x9  }
0x47: {  	v12 =	vld [tilespmem:s19+$0x0];
	s21 =	spop (v2sf);
	v8 =	vadd.f32 v8, v11;
	(v2sf) =	vpush v3, $0x2  }
0x48: {  	v14 =	vadd.f32 v14, v11;
	v9 =	vld [tilespmem:s29+$0x0];
	s22 =	spop (v2sf);
	(v2sf) =	vpush v3, $0x3  }
0x49: {  	v16 =	vld [tilespmem:s22+$0x0];
	v5 =	vadd.f32 v5, v8;
	v7 =	vadd.f32 v10, v7  }
0x4a: {  	s23 =	spop (v2sf);
	v8 =	vld [tilespmem:s20+$0x0];
	v10 =	vadd.f32 v15, v14;
	(v2sf) =	vpush v3, $0xD  }
0x4b: {  	v14 =	vld [tilespmem:s21+$0x0];
	s24 =	spop (v2sf);
	(v2sf) =	vpush v3, $0x7;
	v13 =	vadd.f32 v13, v5  }
0x4c: {  	v18 =	vld [tilespmem:s31+$0x0];
	s25 =	spop (v2sf);
	v5 =	vadd.f32 v12, v10;
	(v2sf) =	vpush v3, $0xA  }
0x4d: {  	v20 =	vld [tilespmem:s23+$0x0];
	v7 =	vadd.f32 v9, v7;
	s26 =	spop (v2sf);
	(v2sf) =	vpush v6, $0x0  }
0x4e: {  	v15 =	vld [tilespmem:s24+$0x0];
	s28 =	spop (v2sf);
	(v2sf) =	vpush v3, $0x6;
	v5 =	vadd.f32 v16, v5  }
0x4f: {  	v12 =	vld [tilespmem:s26+$0x0];
	v16 =	vadd.f32 v8, v11;
	(v2sf) =	vpush v6, $0x1;
	s29 =	spop (v2sf)  }
0x50: {  	v8 =	vadd.f32 v14, v13;
	v14 =	vld [tilespmem:s25+$0x0];
	s30 =	spop (v2sf);
	(v2sf) =	vpush v6, $0x2  }
0x51: {  	v9 =	vadd.f32 v18, v7;
	v10 =	vld [tilespmem:s29+$0x0];
	s31 =	spop (v2sf);
	(v2sf) =	vpush v3, $0xF  }
0x52: {  	v18 =	vadd.f32 v20, v16;
	v16 =	vld [tilespmem:s28+$0x0];
	(v2sf) =	vpush v6, $0x4;
	s18 =	spop (v2sf)  }
0x53: {  	v11 =	vld [tilespmem:s30+$0x0];
	s14 =	spop (v2sf);
	(v2sf) =	vpush v6, $0x5  }
0x54: {  	s15 =	simm.s32 $0x100;
	v17 =	vadd.f32 v19, v17;
	s19 =	simm.s32 $0x20;
	v7 =	vld [tilespmem:s31+$0x0];
	(v2sf) =	vpush v6, $0x9;
	s17 =	spop (v2sf)  }
.LBB2_3:
0x55: {  	s20 =	sand.u32 $0x400, s15  }
0x56: {  	v19 =	vld [tilespmem:s18+$0x0];
	s18 =	spop (v2sf);
	(v2sf) =	vpush v6, $0xA;
	v13 =	vadd.f32 v15, v18;
	s21 =	smov.u32 s19;
	s16 =	sadd.s32 $0x10, s19  }
0x57: {  	s21 =	sand.u32 $0x70, s21;
	s20 =	sadd.s32 s20, s13;
	v15 =	vld [tilespmem:s18+$0x0];
	s18 =	spop (v2sf);
	(v2sf) =	vpush v6, $0xD;
	v0 =	vadd.f32 v0, v17  }
0x58: {  	p0 =	sne.s32 s19, $0xB0;
	s20 =	sadd.s32 s21, s20;
	v17 =	vld [tilespmem:s18+$0x0];
	s18 =	spop (v2sf);
	(v2sf) =	vpush v6, $0x8;
	v13 =	vadd.f32 v14, v13  }
0x59: {  	v14 =	vld [tilespmem:s20+$0x80];
	(v2sf) =	vpush v6, $0x3;
	s19 =	spop (v2sf);
	v12 =	vadd.f32 v12, v0  }
0x5a: {  	v1 =	vadd.f32 v16, v1;
	v16 =	vld [tilespmem:s19+$0x0];
	s19 =	spop (v2sf);
	(v2sf) =	vpush v6, $0xE  }
0x5b: {  	v18 =	vld [tilespmem:s20+$0x0];
	s20 =	spop (v2sf);
	(v2sf) =	vpush v6, $0xC;
	v0 =	vmov v19  }
0x5c: {  	v1 =	vadd.f32 v15, v1;
	v15 =	vld [tilespmem:s19+$0x0];
	(v2sf) =	vpush v6, $0x7;
	s19 =	spop (v2sf)  }
0x5d: {  	v19 =	vld [tilespmem:s18+$0x0];
	s18 =	spop (v2sf);
	(v2sf) =	vpush v6, $0xB  }
0x5e: {  	v20 =	vld [tilespmem:s20+$0x0];
	v1 =	vadd.f32 v17, v1;
	s20 =	spop (v2sf);
	(v2sf) =	vpush v6, $0xF  }
0x5f: {  	v6 =	vshll.u32 v14, $0x6;
	v14 =	vld [tilespmem:s20+$0x0];
	s20 =	spop (v2sf);
	(v2sf) =	vpush v3, $0xC  }
0x60: {  	v21 =	vadd.f32 v11, v12;
	v3 =	vshra.s32 v6, $0x2;
	v17 =	vshll.u32 v18, $0x6;
	v11 =	vld [tilespmem:s20+$0x0];
	s20 =	spop (v2sf)  }
0x61: {  	v4 =	vadd.f32 v16, v4;
	v3 =	vadd.s32 $0x8000, v3;
	v12 =	vld [tilespmem:s19+$0x0];
	v1 =	vadd.f32 v15, v1;
	s19 =	spop (v2sf)  }
0x62: {  	v6 =	vshra.s32 v17, $0x2;
	(v2sf) =	vpush v3, $0x1;
	v2 =	vadd.f32 v19, v2;
	v15 =	vld [tilespmem:s19+$0x0];
	s19 =	spop (v2sf)  }
0x63: {  	v6 =	vadd.s32 $0x8000, v6;
	(v2sf) =	vpush v3, $0xB;
	v4 =	vadd.f32 v20, v4;
	v16 =	vld [tilespmem:s17+$0x0];
	s17 =	spop (v2sf)  }
0x64: {  	(v2sf) =	vpush v3, $0x0;
	v17 =	vld [tilespmem:s18+$0x0];
	v2 =	vadd.f32 v14, v2;
	s18 =	spop (v2sf)  }
0x65: {  	(v2sf) =	vpush v6, $0x6;
	v14 =	vld [tilespmem:s20+$0x0];
	v4 =	vadd.f32 v10, v4;
	s20 =	spop (v2sf)  }
0x66: {  	(v2sf) =	vpush v3, $0x8;
	v10 =	vld [tilespmem:s19+$0x0];
	v2 =	vadd.f32 v12, v2;
	s19 =	spop (v2sf)  }
0x67: {  	(v2sf) =	vpush v3, $0x4;
	v12 =	vld [tilespmem:s17+$0x0];
	v4 =	vadd.f32 v15, v4;
	s17 =	spop (v2sf)  }
0x68: {  	(v2sf) =	vpush v3, $0xE;
	v15 =	vld [tilespmem:s17+$0x0];
	v2 =	vadd.f32 v16, v2;
	s17 =	spop (v2sf)  }
0x69: {  	v9 =	vadd.f32 v11, v9;
	(v2sf) =	vpush v3, $0x5;
	v11 =	vld [tilespmem:s18+$0x0];
	s18 =	spop (v2sf)  }
0x6a: {  	(v2sf) =	vpush v3, $0x9;
	v8 =	vadd.f32 v14, v8;
	v14 =	vld [tilespmem:s20+$0x0];
	s20 =	spop (v2sf)  }
0x6b: {  	v5 =	vadd.f32 v17, v5;
	(v2sf) =	vpush v3, $0x2;
	v16 =	vld [tilespmem:s20+$0x0];
	s20 =	spop (v2sf)  }
0x6c: {  	(v2sf) =	vpush v3, $0x3;
	v7 =	vadd.f32 v7, v8;
	v17 =	vld [tilespmem:s19+$0x0];
	s19 =	spop (v2sf)  }
0x6d: {  	v9 =	vadd.f32 v12, v9;
	(v2sf) =	vpush v3, $0xD;
	v8 =	vld [tilespmem:s17+$0x0];
	s17 =	spop (v2sf)  }
0x6e: {  	v5 =	vadd.f32 v10, v5;
	(v2sf) =	vpush v3, $0x7;
	v19 =	vld [tilespmem:s14+$0x0];
	s14 =	spop (v2sf)  }
0x6f: {  	(v2sf) =	vpush v3, $0xA;
	v7 =	vadd.f32 v14, v7;
	v14 =	vld [tilespmem:s18+$0x0]  }
0x70: {  	v5 =	vadd.f32 v15, v5;
	(v2sf) =	vpush v6, $0x0;
	v12 =	vld [tilespmem:s14+$0x0]  }
0x71: {  	v9 =	vadd.f32 v11, v9;
	s21 =	spop (v2sf);
	(v2sf) =	vpush v3, $0x6;
	v18 =	vld [tilespmem:s20+$0x0]  }
0x72: {  	v5 =	vadd.f32 v16, v5;
	(v2sf) =	vpush v6, $0x1;
	s14 =	spop (v2sf);
	v15 =	vld [tilespmem:s19+$0x0]  }
.Ltmp0:
0x73: {  	v13 =	vadd.f32 v8, v13;
	v10 =	vld [tilespmem:s14+$0x0];
	s14 =	spop (v2sf);
	(v2sf) =	vpush v6, $0x2;
	(pc) =	sbr.rel @p0 .LBB2_3-.Ltmp0, $4  }
0x74: {  	s19 =	spop (v2sf);
	(v2sf) =	vpush v3, $0xF;
	v8 =	vadd.f32 v14, v7;
	v14 =	vld [tilespmem:s17+$0x0]  }
0x75: {  	v9 =	vadd.f32 v17, v9;
	v11 =	vld [tilespmem:s14+$0x0];
	(v2sf) =	vpush v6, $0x4;
	s18 =	spop (v2sf)  }
0x76: {  	v7 =	vld [tilespmem:s19+$0x0];
	s14 =	spop (v2sf);
	(v2sf) =	vpush v6, $0x5;
	v18 =	vadd.f32 v18, v13  }
0x77: {  	s15 =	sadd.s32 $0x80, s15;
	v17 =	vadd.f32 v19, v21;
	s19 =	smov.u32 s16;
	v16 =	vld [tilespmem:s21+$0x0];
	(v2sf) =	vpush v6, $0x9;
	s17 =	spop (v2sf)  }
0x78: {  	s15 =	spop (v2sf);
	v13 =	vld [tilespmem:s18+$0x0];
	(v2sf) =	vpush v6, $0xA  }
0x79: {  	v24 =	vld [tilespmem:s13+$0x438];
	s16 =	spop (v2sf);
	(v2sf) =	vpush v6, $0xD  }
0x7a: {  	v25 =	vld [tilespmem:s13+$0x4B8];
	s21 =	spop (v2sf);
	(v2sf) =	vpush v6, $0x8  }
0x7b: {  	v29 =	vld [tilespmem:s17+$0x0];
	s22 =	spop (v2sf);
	(v2sf) =	vpush v6, $0x3  }
0x7c: {  	v38 =	vld [tilespmem:s14+$0x0];
	s23 =	spop (v2sf);
	(v2sf) =	vpush v6, $0xE  }
0x7d: {  	v19 =	vld [tilespmem:s15+$0x0];
	s24 =	spop (v2sf);
	(v2sf) =	vpush v6, $0xC  }
0x7e: {  	v20 =	vld [tilespmem:s16+$0x0];
	s25 =	spop (v2sf)  }
0x7f: {  	v23 =	vld [tilespmem:s21+$0x0];
	(v2sf) =	vpush v6, $0x7;
	s26 =	spop (v2sf)  }
0x80: {  	v21 =	vld [tilespmem:s22+$0x0];
	(v2sf) =	vpush v6, $0xB;
	s28 =	spop (v2sf)  }
0x81: {  	v22 =	vld [tilespmem:s23+$0x0];
	(v2sf) =	vpush v6, $0xF;
	s29 =	spop (v2sf)  }
0x82: {  	v26 =	vld [tilespmem:s24+$0x0];
	s30 =	spop (v2sf)  }
0x83: {  	v24 =	vshll.u32 v24, $0x6;
	v27 =	vld [tilespmem:s25+$0x0];
	s31 =	spop (v2sf)  }
0x84: {  	v25 =	vshll.u32 v25, $0x6;
	v24 =	vshra.s32 v24, $0x2;
	v30 =	vld [tilespmem:s26+$0x0];
	s16 =	spop (v2sf)  }
0x85: {  	v25 =	vshra.s32 v25, $0x2;
	v24 =	vadd.s32 $0x8000, v24;
	v60 =	vld [tilespmem:s28+$0x0];
	(v2sf) =	vpush v3, $0xC;
	s19 =	spop (v2sf)  }
0x86: {  	v25 =	vadd.s32 $0x8000, v25;
	v61 =	vld [tilespmem:s29+$0x0];
	(v2sf) =	vpush v24, $0x8;
	s20 =	spop (v2sf)  }
0x87: {  	v31 =	vld [tilespmem:s30+$0x0];
	s21 =	spop (v2sf);
	(v2sf) =	vpush v25, $0x8  }
0x88: {  	v28 =	vld [tilespmem:s31+$0x0];
	s22 =	spop (v2sf);
	(v2sf) =	vpush v24, $0x9  }
0x89: {  	v32 =	vld [tilespmem:s16+$0x0];
	s23 =	spop (v2sf);
	(v2sf) =	vpush v25, $0x9  }
0x8a: {  	v33 =	vld [tilespmem:s19+$0x0];
	s24 =	spop (v2sf);
	(v2sf) =	vpush v24, $0xA  }
0x8b: {  	v35 =	vld [tilespmem:s20+$0x0];
	s25 =	spop (v2sf);
	(v2sf) =	vpush v25, $0xA  }
0x8c: {  	v15 =	vadd.f32 v15, v18;
	v62 =	vld [tilespmem:s21+$0x0];
	s26 =	spop (v2sf);
	(v2sf) =	vpush v24, $0xB  }
0x8d: {  	v0 =	vadd.f32 v0, v17;
	v36 =	vld [tilespmem:s22+$0x0];
	(v2sf) =	vpush v25, $0xB  }
0x8e: {  	v14 =	vadd.f32 v14, v15;
	v34 =	vld [tilespmem:s23+$0x0];
	s28 =	spop (v2sf);
	(v2sf) =	vpush v24, $0xC  }
0x8f: {  	v0 =	vadd.f32 v12, v0;
	v37 =	vld [tilespmem:s24+$0x0];
	s29 =	spop (v2sf);
	(v2sf) =	vpush v25, $0xC  }
0x90: {  	v1 =	vadd.f32 v16, v1;
	v39 =	vld [tilespmem:s25+$0x0];
	s30 =	spop (v2sf);
	(v2sf) =	vpush v24, $0xD  }
0x91: {  	v0 =	vadd.f32 v11, v0;
	v63 =	vld [tilespmem:s26+$0x0];
	(v2sf) =	vpush v25, $0xD  }
0x92: {  	v1 =	vadd.f32 v19, v1;
	v41 =	vld [tilespmem:s28+$0x0];
	(v2sf) =	vpush v24, $0xE  }
0x93: {  	v0 =	vadd.f32 v38, v0;
	v42 =	vld [tilespmem:s29+$0x0];
	(v2sf) =	vpush v25, $0xE  }
0x94: {  	v4 =	vadd.f32 v21, v4;
	s31 =	spop (v2sf);
	v43 =	vld [tilespmem:s30+$0x0];
	(v2sf) =	vpush v24, $0xF  }
0x95: {  	v2 =	vadd.f32 v23, v2;
	v40 =	vld [tilespmem:s31+$0x0];
	s15 =	spop (v2sf);
	(v2sf) =	vpush v25, $0xF  }
0x96: {  	v1 =	vadd.f32 v20, v1;
	v4 =	vadd.f32 v26, v4;
	v44 =	vld [tilespmem:s15+$0x0];
	s16 =	spop (v2sf)  }
0x97: {  	v0 =	vadd.f32 v13, v0;
	v2 =	vadd.f32 v60, v2;
	v45 =	vld [tilespmem:s16+$0x0];
	s17 =	spop (v2sf)  }
0x98: {  	v1 =	vadd.f32 v22, v1;
	v4 =	vadd.f32 v10, v4;
	v46 =	vld [tilespmem:s17+$0x0];
	s18 =	spop (v2sf)  }
0x99: {  	v5 =	vadd.f32 v30, v5;
	v2 =	vadd.f32 v27, v2;
	v47 =	vld [tilespmem:s18+$0x0];
	s19 =	spop (v2sf)  }
0x9a: {  	v3 =	vadd.f32 v61, v9;
	v8 =	vadd.f32 v31, v8;
	v48 =	vld [tilespmem:s19+$0x0];
	s20 =	spop (v2sf)  }
0x9b: {  	v4 =	vadd.f32 v28, v4;
	v2 =	vadd.f32 v29, v2;
	v49 =	vld [tilespmem:s20+$0x0];
	s21 =	spop (v2sf)  }
0x9c: {  	v3 =	vadd.f32 v33, v3;
	v14 =	vadd.f32 v37, v14;
	v50 =	vld [tilespmem:s21+$0x0];
	s22 =	spop (v2sf)  }
0x9d: {  	v7 =	vadd.f32 v7, v8;
	v5 =	vadd.f32 v32, v5;
	v51 =	vld [tilespmem:s22+$0x0];
	s23 =	spop (v2sf)  }
0x9e: {  	v3 =	vadd.f32 v35, v3;
	v14 =	vadd.f32 v41, v14;
	v52 =	vld [tilespmem:s23+$0x0];
	s24 =	spop (v2sf)  }
0x9f: {  	v7 =	vadd.f32 v62, v7;
	v5 =	vadd.f32 v34, v5;
	v53 =	vld [tilespmem:s24+$0x0];
	s25 =	spop (v2sf)  }
0xa0: {  	v3 =	vadd.f32 v36, v3;
	v14 =	vadd.f32 v42, v14;
	v54 =	vld [tilespmem:s25+$0x0];
	s26 =	spop (v2sf)  }
0xa1: {  	v5 =	vadd.f32 v63, v5;
	v0 =	vadd.f32 v40, v0;
	v55 =	vld [tilespmem:s26+$0x0];
	s28 =	spop (v2sf)  }
0xa2: {  	v7 =	vadd.f32 v39, v7;
	v14 =	vadd.f32 v43, v14;
	v56 =	vld [tilespmem:s28+$0x0];
	s29 =	spop (v2sf)  }
0xa3: {  	v5 =	vadd.f32 v44, v5;
	v0 =	vadd.f32 v45, v0;
	v57 =	vld [tilespmem:s29+$0x0];
	s30 =	spop (v2sf)  }
0xa4: {  	v3 =	vadd.f32 v46, v3;
	v1 =	vadd.f32 v47, v1;
	v58 =	vld [tilespmem:s30+$0x0];
	s31 =	spop (v2sf)  }
0xa5: {  	v7 =	vadd.f32 v48, v7;
	v2 =	vadd.f32 v49, v2;
	v59 =	vld [tilespmem:s31+$0x0]  }
0xa6: {  	v60 =	vadd.f32 v50, v14;
	v4 =	vadd.f32 v51, v4  }
0xa7: {  	v5 =	vadd.f32 v52, v5;
	v0 =	vadd.f32 v53, v0  }
0xa8: {  	v3 =	vadd.f32 v54, v3;
	v1 =	vadd.f32 v55, v1  }
0xa9: {  	v7 =	vadd.f32 v56, v7;
	v9 =	vadd.f32 v58, v60  }
0xaa: {  	s11 =	sadd.s32 $0x1, s11;
	v2 =	vadd.f32 v57, v2;
	v4 =	vadd.f32 v59, v4  }
0xab: {  	p0 =	sne.s32 s11, $0x40;
	v3 =	vadd.f32 v3, v5;
	v61 =	vadd.f32 v9, v7  }
.Ltmp1:
0xac: {  	v0 =	vadd.f32 v1, v0;
	v62 =	vadd.f32 v4, v2;
	(pc) =	sbr.rel @p0 .LBB2_2-.Ltmp1, $4  }
0xad: {  	v63 =	vadd.f32 v61, v3  }
0xae: {  	v0 =	vadd.f32 v62, v0  }
0xaf: {  	[tilespmem:s12+$0xC000] =	vst v63  }
0xb0: {  	[tilespmem:s12+$0xC080] =	vst v0  }
0xb1: {  	s10 =	sadd.s32 $0x1, s10  }
0xb2: {  	p0 =	sne.s32 s10, s6  }
.Ltmp2:
0xb3: {  	_ = 	snop;
	(pc) =	sbr.rel @p0 .LBB2_1-.Ltmp2, $4  }
0xb4: {  	[hbm4b:s5+s3] =	stream.linear.scatter [tilespmem:s9], [sflag:$0x1], $0x4000, $0x38;
	[tilespmem:$0x10000] =	vst v63  }
0xb5: {  	_ =	swait.ge [sflag:s7], $0x4000  }
0xb6: {  	[sflag:s7] =	ssyncset.done $0x0  }
0xb7: {  	[sflag:s7] =	ssyncadd.s32 $0xFFFFC000  }
0xb8: {  	_ =	sfence.sel $0x180000  }
0xb9: {  	[bflag:$0x0] =	sbarrier.arrive $0xFFFF  }
0xba: {  	p0 =	sne.s32 s1, $0x0;
	_ =	strace $0x90000047  }
0xbb: {  	s0 =	sadd.s32 @!p0 $0x100000, s0;
	[bflag:$0x2] =	sbarrier.arrive $0xFFFF  }
0xbc: {  	[sflag:s0] =	ssyncadd.tile.s32 @!p0 $0x1;
	_ =	shalt  }
.Lfunc_end2:
_tile_overlayer_lowered:
.L_overlay_start_2:
0xbd: {  	(tag) =	ssettag $0x2  }
0xbe: {  	s0 =	rddreg [dreg:$0x0];
	s2 =	stileid.u32  }
0xbf: {  	s1 =	rddreg [dreg:$0x1];
	p0 =	sne.s32 s2, $0x0  }
0xc0: {  	s3 =	rddreg [dreg:$0x2];
	[bflag:$0x3] =	sbarrier.arrive $0xFFFF;
	s2 =	simm.s32 @!p0 $0x1C01  }
0xc1: {  	[timem:s3], [sflag:s2] =	dma.local @!p0 [hbm:s0], s1  }
0xc2: {  	s0 =	simm.s32 @!p0 $0x1  }
0xc3: {  	_ =	swait.ge @!p0 [sflag:s0], s1  }
0xc4: {  	s1 =	ssub.s32 @!p0 $0x0, s1;
	[sflag:s0] =	ssyncset.done @!p0 $0x0  }
0xc5: {  	[sflag:s0] =	ssyncadd.s32 @!p0 s1  }
0xc6: {  	[bflag:$0x3] =	sbarrier.arrive $0xFFFF  }
0xc7: {  	_ =	shalt  }

</sc_bundles>
